<compile_context>
chip_gen: v7x
topology: tpu7x:2x2x1
jax: 0.10.2.dev20260603
libtpu: 0.0.44.dev20260713+nightly
codegen_flags: <defaults>
</compile_context>

<pallas_src>
import jax
import jax.numpy as jnp
from jax.experimental import pallas as pl
from jax.experimental.pallas import tpu as pltpu

_B, _N, _C, _H = 32, 197, 384, 12
_DH = _C // _H
_M = _N - 1
_F32 = jnp.float32
_HI = jax.lax.Precision.HIGHEST


def _eye(n):
    i_io = jax.lax.broadcasted_iota(jnp.int32, (n, n), 0)
    j_io = jax.lax.broadcasted_iota(jnp.int32, (n, n), 1)
    return (i_io == j_io).astype(_F32)


def _col_to_row(col, n):
    return jnp.sum(jnp.broadcast_to(col, (n, n)) * _eye(n), axis=0, keepdims=True)


def _row_to_col(row, n):
    return jnp.sum(jnp.broadcast_to(row, (n, n)) * _eye(n), axis=1, keepdims=True)


def _scores(x, Wqkv):
    Bs, Ns, Cs = x.shape
    scale = _DH ** (-0.5)
    qkv = (x @ Wqkv.T).reshape(Bs, Ns, 3, _H, _DH).transpose(2, 0, 3, 1, 4)
    q, k, v = qkv[0], qkv[1], qkv[2]
    attn = jnp.einsum('bhnd,bhmd->bhnm', q, k) * scale
    attn = jax.nn.softmax(attn, axis=-1)
    v_full = v.transpose(0, 2, 1, 3).reshape(Bs, Ns, Cs)
    v_norm_2 = jnp.linalg.norm(v_full, ord=2, axis=2)
    selection_score = attn[:, :, 0].sum(axis=1) * v_norm_2
    selection_score = selection_score[:, 1:]
    return selection_score / selection_score.sum(axis=1, keepdims=True)


def _rank_kernel(s_ref, ss_ref, sind_ref):
    s_row = s_ref[0]
    s_col = _row_to_col(s_row, _M)

    i_io = jax.lax.broadcasted_iota(jnp.int32, (_M, _M), 0)
    j_io = jax.lax.broadcasted_iota(jnp.int32, (_M, _M), 1)
    si = jnp.broadcast_to(s_col, (_M, _M))
    sj = jnp.broadcast_to(s_row, (_M, _M))
    less = (sj < si) | ((sj == si) & (j_io < i_io))
    rank_col = jnp.sum(less.astype(_F32), axis=1, keepdims=True)
    rank_row = _col_to_row(rank_col, _M)

    perm = (jnp.broadcast_to(rank_row, (_M, _M))
            == i_io.astype(_F32)).astype(_F32)
    ss_col = jnp.sum(perm * sj, axis=1, keepdims=True)
    sind_col = jnp.sum(perm * j_io.astype(_F32), axis=1, keepdims=True)

    ss_ref[0] = _col_to_row(ss_col, _M)
    sind_ref[0] = _col_to_row(sind_col, _M)


def _cdf_kernel(ss_ref, ncdf_ref, t_ref, c_ref):
    ss = ss_ref[:, 0, :]
    eyeM = _eye(_M)
    t_ref[...] = jax.lax.dot_general(
        eyeM, ss, (((1,), (1,)), ((), ())), preferred_element_type=_F32,
        precision=_HI)

    def scan1(j, acc):
        acc = acc + t_ref[pl.ds(j, 1), :]
        c_ref[pl.ds(j, 1), :] = acc
        return acc

    carry = jax.lax.fori_loop(0, 128, scan1, jnp.zeros((1, _B), _F32))

    def scan2(j, acc):
        acc = acc + t_ref[pl.ds(j, 1), :]
        c_ref[pl.ds(j, 1), :] = carry + acc
        return acc

    jax.lax.fori_loop(128, _M, scan2, jnp.zeros((1, _B), _F32))

    cdf = c_ref[...]
    cmin = jnp.min(cdf, axis=0, keepdims=True)
    cmax = jnp.max(cdf, axis=0, keepdims=True)
    ncdf = (cdf - cmin) / (cmax - cmin)
    ncdf_ref[:, 0, :] = jax.lax.dot_general(
        _eye(_B), ncdf, (((1,), (1,)), ((), ())), preferred_element_type=_F32,
        precision=_HI)


def _pick_kernel(ncdf_ref, sind_ref, ys_ref, out_ref):
    ncdf_row = ncdf_ref[0]
    sind_row = sind_ref[0]

    i_io = jax.lax.broadcasted_iota(jnp.int32, (_M, _M), 0)
    j_io = jax.lax.broadcasted_iota(jnp.int32, (_M, _M), 1)
    ys_col = _row_to_col(ys_ref[0:1, 0:_M], _M)
    d = jnp.abs(jnp.broadcast_to(ys_col, (_M, _M))
                - jnp.broadcast_to(ncdf_row, (_M, _M)))
    dmin = jnp.min(d, axis=1, keepdims=True)
    cand = jnp.where(d == dmin, j_io, _M)
    pick_col = jnp.min(cand, axis=1, keepdims=True).astype(_F32)

    fmask = (j_io.astype(_F32) == jnp.broadcast_to(pick_col, (_M, _M))
             ).astype(_F32)
    final_col = jnp.sum(fmask * jnp.broadcast_to(sind_row, (_M, _M)),
                        axis=1, keepdims=True)

    ind_full = jnp.concatenate(
        [jnp.zeros((1, 1), _F32), final_col + 1.0], axis=0)
    b = pl.program_id(0)
    gidx = ind_full.astype(jnp.int32) + b * _N
    eyeN = _eye(_N)
    out_ref[0] = jnp.sum(jnp.broadcast_to(gidx.astype(_F32), (_N, _N)) * eyeN,
                         axis=0, keepdims=True).astype(jnp.int32)


def _rank_call(sn):
    return pl.pallas_call(
        _rank_kernel,
        grid=(_B,),
        in_specs=[pl.BlockSpec((1, 1, _M), lambda b: (b, 0, 0))],
        out_specs=[pl.BlockSpec((1, 1, _M), lambda b: (b, 0, 0))] * 2,
        out_shape=[jax.ShapeDtypeStruct((_B, 1, _M), _F32)] * 2,
        compiler_params=pltpu.CompilerParams(
            dimension_semantics=("arbitrary",)),
    )(sn)


def _cdf_call(ss):
    return pl.pallas_call(
        _cdf_kernel,
        grid=(1,),
        in_specs=[pl.BlockSpec((_B, 1, _M), lambda i: (0, 0, 0))],
        out_specs=pl.BlockSpec((_B, 1, _M), lambda i: (0, 0, 0)),
        out_shape=jax.ShapeDtypeStruct((_B, 1, _M), _F32),
        scratch_shapes=[pltpu.VMEM((_M, _B), _F32),
                        pltpu.VMEM((_M, _B), _F32)],
    )(ss)


def _pick_call(ncdf, sind, ys_param):
    return pl.pallas_call(
        _pick_kernel,
        grid=(_B,),
        in_specs=[
            pl.BlockSpec((1, 1, _M), lambda b: (b, 0, 0)),
            pl.BlockSpec((1, 1, _M), lambda b: (b, 0, 0)),
            pl.BlockSpec((1, _M), lambda b: (0, 0)),
        ],
        out_specs=pl.BlockSpec((1, 1, _N), lambda b: (b, 0, 0)),
        out_shape=jax.ShapeDtypeStruct((_B, 1, _N), jnp.int32),
        compiler_params=pltpu.CompilerParams(
            dimension_semantics=("arbitrary",)),
    )(ncdf, sind, ys_param)


_ROWS = _B * _N
_CHUNK = 200
_LAST = _ROWS - 31 * _CHUNK

def _sc_gather(table, idx):
    import functools
    from jax.experimental.pallas import tpu_sc as plsc
    info = plsc.get_sparse_core_info()
    mesh = plsc.VectorSubcoreMesh(core_axis_name="c", subcore_axis_name="s")

    @functools.partial(
        pl.kernel, mesh=mesh,
        out_type=jax.ShapeDtypeStruct((_ROWS, _C), _F32),
        scratch_types=[
            pltpu.VMEM((_CHUNK,), jnp.int32),
            pltpu.VMEM((_CHUNK, _C), _F32),
            pltpu.SemaphoreType.DMA,
        ],
    )
    def k(table_hbm, idx_hbm, out_hbm, idx_v, rows_v, sem):
        wid = jax.lax.axis_index("s") * info.num_cores + jax.lax.axis_index("c")
        base = wid * _CHUNK

        @pl.when(wid < 31)
        def _full():
            pltpu.sync_copy(idx_hbm.at[pl.ds(base, _CHUNK)], idx_v)
            pltpu.async_copy(table_hbm.at[idx_v], rows_v, sem).wait()
            pltpu.sync_copy(rows_v, out_hbm.at[pl.ds(base, _CHUNK)])

        @pl.when(wid == 31)
        def _tail():
            iv = idx_v.at[pl.ds(0, _LAST)]
            rv = rows_v.at[pl.ds(0, _LAST)]
            pltpu.sync_copy(idx_hbm.at[pl.ds(31 * _CHUNK, _LAST)], iv)
            pltpu.async_copy(table_hbm.at[iv], rv, sem).wait()
            pltpu.sync_copy(rv, out_hbm.at[pl.ds(31 * _CHUNK, _LAST)])

    return k(table, idx)


def kernel(x, raw_x, policy, Wqkv, ys_param, n):
    sn = _scores(x, Wqkv)
    ss, sind = _rank_call(sn.reshape(_B, 1, _M))
    ncdf = _cdf_call(ss)
    gidx = _pick_call(ncdf, sind, ys_param)
    rows = _sc_gather(raw_x.reshape(_ROWS, _C),
                      gidx.reshape(_ROWS))
    selected = rows.reshape(_B, _N, _C)
    return x, selected, policy

# --- scband reference (transcript-rebuilt; emitter-appended) ---
"""Pipeline reference for scband-query-selector-15015205667050 (READ-ONLY COPY).

The authoritative reference and input builder live on the scoring server;
editing this copy changes nothing except your own understanding.
"""

import jax, jax.numpy as jnp
import numpy as np

B, N, C, H = 32, 197, 384, 12


def setup_inputs(seed: int = 0):
    key = jax.random.key(seed)
    k1, k2, k3 = jax.random.split(key, 3)
    x = jax.random.normal(k1, (B, N, C), dtype=jnp.float32)
    raw_x = jax.random.normal(k2, (B, N, C), dtype=jnp.float32)
    policy = jnp.ones((B, N, 1), dtype=jnp.float32)
    Wqkv = jax.random.normal(k3, (3 * C, C), dtype=jnp.float32) * 0.02
    ys_param = jnp.asarray(np.linspace(0.0, 1.0, 196), dtype=jnp.float32)[None, :]
    return {"x": x, "raw_x": raw_x, "policy": policy, "Wqkv": Wqkv, "ys_param": ys_param, "n": 98}


def _forward(x, raw_x, policy, Wqkv, ys_param):
    Bs, Ns, Cs = x.shape
    dh = Cs // H
    scale = dh ** (-0.5)
    # qkv projection (no bias), reshape/permute as in torch
    qkv = (x @ Wqkv.T).reshape(Bs, Ns, 3, H, dh).transpose(2, 0, 3, 1, 4)
    q, k, v = qkv[0], qkv[1], qkv[2]
    attn = jnp.einsum('bhnd,bhmd->bhnm', q, k) * scale
    attn = jax.nn.softmax(attn, axis=-1)
    # v norm over channel dim
    v_full = v.transpose(0, 2, 1, 3).reshape(Bs, Ns, Cs)
    v_norm_2 = jnp.linalg.norm(v_full, ord=2, axis=2)
    # selection score from CLS-row attention summed over heads
    selection_score = attn[:, :, 0].sum(axis=1) * v_norm_2
    selection_score = selection_score[:, 1:]
    selection_score = selection_score / selection_score.sum(axis=1, keepdims=True)
    # ascending sort
    sorted_ind = jnp.argsort(selection_score, axis=1)
    sorted_scores = jnp.take_along_axis(selection_score, sorted_ind, axis=1)
    cdf = jnp.cumsum(sorted_scores, axis=1)
    cmin = cdf.min(axis=1, keepdims=True)
    cmax = cdf.max(axis=1, keepdims=True)
    norm_cdf = ((cdf - cmin) / (cmax - cmin))[:, None, :]  # [B,1,N-1]
    # ys is detached in torch (self.ys.detach())
    ys = jax.lax.stop_gradient(ys_param)[:, : Ns - 1]  # [1,N-1]
    # torch: unsqueeze(0).expand(B,-1,-1).permute(0,2,1).expand(B,N-1,N-1) -> ys_mat[b,i,j] = ys[i]
    ys_mat = jnp.broadcast_to(ys[0][None, :, None], (Bs, Ns - 1, Ns - 1))
    tokens_to_pick_ind = jnp.argmin(jnp.abs(ys_mat - norm_cdf), axis=2)  # [B,N-1]
    # gather raw tokens by sorted order, then by picked indices
    raw_sorted = jnp.take_along_axis(raw_x[:, 1:], sorted_ind[:, :, None], axis=1)
    raw_picked = jnp.take_along_axis(raw_sorted, tokens_to_pick_ind[:, :, None], axis=1)
    selected_x = jnp.concatenate([raw_x[:, 0:1], raw_picked], axis=1)
    # x = self.proj_drop(x) with p=0.0 is identity; proj is NOT applied in this path
    return x, selected_x, policy


def reference(x, raw_x, policy, Wqkv, ys_param, n):
    # n is only rounded then overwritten by norm_cdf.shape[2]+1 in the torch code
    return _forward(x, raw_x, policy, Wqkv, ys_param)

if __name__ == "__main__":
    import jax
    _d = setup_inputs()
    print(jax.jit(kernel)(*tuple(_d.values())))

</pallas_src>

<mosaic_0001>
#map = affine_map<(d0, d1) -> (0, 0)>
#map1 = affine_map<(d0, d1) -> (0)>
module attributes {stable_mosaic.version = 14 : i64} {
  func.func @k(%arg0: i32, %arg1: i32, %arg2: memref<6304x384xf32, #tpu.memory_space<hbm>>, %arg3: memref<6304xi32, #tpu.memory_space<hbm>>, %arg4: memref<6304x384xf32, #tpu.memory_space<hbm>>, %arg5: memref<200xi32, #tpu.memory_space<vmem>>, %arg6: memref<200x384xf32, #tpu.memory_space<vmem>>, %arg7: memref<!tpu.dma_semaphore, #tpu.memory_space<semaphore_mem>>) attributes {dimension_semantics = [#tpu.dimension_semantics<core_parallel>, #tpu.dimension_semantics<subcore_parallel>], iteration_bounds = array<i64: 2, 16>, scalar_prefetch = 0 : i64, scratch_operands = 3 : i64, tpu.core_type = #tpu.core_type<sc_vector_subcore>, window_params = [{transform_indices = #map}, {transform_indices = #map1}, {transform_indices = #map}]} {
    %mul3A = arith.constant 2 : i32
    %mul3A_0 = arith.muli %arg1, %mul3A : i32
    %add3A = arith.addi %mul3A_0, %arg0 : i32
    %mul3A_1 = arith.constant 200 : i32
    %mul3A_2 = arith.muli %add3A, %mul3A_1 : i32
    %lt3A = arith.constant 31 : i32
    %lt3A_3 = arith.cmpi slt, %add3A, %lt3A : i32
    %convert_element_type3A = arith.extui %lt3A_3 : i1 to i32
    %cond3A = arith.constant 0 : i32
    %cond3A_4 = arith.cmpi ne, %convert_element_type3A, %cond3A : i32
    scf.if %cond3A_4 {
      "tpu.region"() ({
        %run_scoped3A = tpu.sem_alloc : memref<!tpu.dma_semaphore, #tpu.memory_space<semaphore_mem>>
        %dma_start3A_13 = tpu.memref_slice %arg3[%mul3A_2] : memref<6304xi32, #tpu.memory_space<hbm>> -> memref<200xi32, #tpu.memory_space<hbm>>
        %dma_start3A_14 = tpu.memref_slice %arg3[%mul3A_2] : memref<6304xi32, #tpu.memory_space<hbm>> -> memref<200xi32, #tpu.memory_space<hbm>>
        tpu.enqueue_dma source(%dma_start3A_14 : memref<200xi32, #tpu.memory_space<hbm>>) target(%arg5 : memref<200xi32, #tpu.memory_space<vmem>>) target_semaphore(%run_scoped3A : memref<!tpu.dma_semaphore, #tpu.memory_space<semaphore_mem>>)
        %dma_wait3A_15 = tpu.memref_slice %arg3[%mul3A_2] : memref<6304xi32, #tpu.memory_space<hbm>> -> memref<200xi32, #tpu.memory_space<hbm>>
        %dma_wait3A_16 = tpu.memref_slice %arg3[%mul3A_2] : memref<6304xi32, #tpu.memory_space<hbm>> -> memref<200xi32, #tpu.memory_space<hbm>>
        tpu.wait_dma2 semaphore(%run_scoped3A : memref<!tpu.dma_semaphore, #tpu.memory_space<semaphore_mem>>) src(%dma_wait3A_16 : memref<200xi32, #tpu.memory_space<hbm>>) dst(%arg5 : memref<200xi32, #tpu.memory_space<vmem>>)
        tpu.yield
      }) : () -> ()
      %dma_start3A = arith.constant 0 : i32
      %dma_start3A_9 = arith.constant 0 : i32
      %dma_start3A_10 = tpu.memref_slice %arg2[%dma_start3A, %dma_start3A_9] : memref<6304x384xf32, #tpu.memory_space<hbm>> -> memref<6304x384xf32, #tpu.memory_space<hbm>>
      tpu.enqueue_indirect_dma source(%dma_start3A_10 : memref<6304x384xf32, #tpu.memory_space<hbm>>) target(%arg6 : memref<200x384xf32, #tpu.memory_space<vmem>>) offsets(%arg5 : memref<200xi32, #tpu.memory_space<vmem>>) semaphore(%arg7 : memref<!tpu.dma_semaphore, #tpu.memory_space<semaphore_mem>>)
      %dma_wait3A = arith.constant 0 : i32
      %dma_wait3A_11 = arith.constant 0 : i32
      %dma_wait3A_12 = tpu.memref_slice %arg2[%dma_wait3A, %dma_wait3A_11] : memref<6304x384xf32, #tpu.memory_space<hbm>> -> memref<6304x384xf32, #tpu.memory_space<hbm>>
      tpu.wait_indirect_dma semaphore(%arg7 : memref<!tpu.dma_semaphore, #tpu.memory_space<semaphore_mem>>) src(%dma_wait3A_12 : memref<6304x384xf32, #tpu.memory_space<hbm>>) dst(%arg6 : memref<200x384xf32, #tpu.memory_space<vmem>>)
      "tpu.region"() ({
        %run_scoped3A = tpu.sem_alloc : memref<!tpu.dma_semaphore, #tpu.memory_space<semaphore_mem>>
        %dma_start3A_13 = arith.constant 0 : i32
        %dma_start3A_14 = tpu.memref_slice %arg4[%mul3A_2, %dma_start3A_13] : memref<6304x384xf32, #tpu.memory_space<hbm>> -> memref<200x384xf32, #tpu.memory_space<hbm>>
        %dma_start3A_15 = arith.constant 0 : i32
        %dma_start3A_16 = tpu.memref_slice %arg4[%mul3A_2, %dma_start3A_15] : memref<6304x384xf32, #tpu.memory_space<hbm>> -> memref<200x384xf32, #tpu.memory_space<hbm>>
        tpu.enqueue_dma source(%arg6 : memref<200x384xf32, #tpu.memory_space<vmem>>) target(%dma_start3A_16 : memref<200x384xf32, #tpu.memory_space<hbm>>) target_semaphore(%run_scoped3A : memref<!tpu.dma_semaphore, #tpu.memory_space<semaphore_mem>>)
        %dma_wait3A_17 = arith.constant 0 : i32
        %dma_wait3A_18 = tpu.memref_slice %arg4[%mul3A_2, %dma_wait3A_17] : memref<6304x384xf32, #tpu.memory_space<hbm>> -> memref<200x384xf32, #tpu.memory_space<hbm>>
        %dma_wait3A_19 = arith.constant 0 : i32
        %dma_wait3A_20 = tpu.memref_slice %arg4[%mul3A_2, %dma_wait3A_19] : memref<6304x384xf32, #tpu.memory_space<hbm>> -> memref<200x384xf32, #tpu.memory_space<hbm>>
        tpu.wait_dma2 semaphore(%run_scoped3A : memref<!tpu.dma_semaphore, #tpu.memory_space<semaphore_mem>>) src(%arg6 : memref<200x384xf32, #tpu.memory_space<vmem>>) dst(%dma_wait3A_20 : memref<200x384xf32, #tpu.memory_space<hbm>>)
        tpu.yield
      }) : () -> ()
    } else {
    }
    %eq3A = arith.constant 31 : i32
    %eq3A_5 = arith.cmpi eq, %add3A, %eq3A : i32
    %convert_element_type3A_6 = arith.extui %eq3A_5 : i1 to i32
    %cond3A_7 = arith.constant 0 : i32
    %cond3A_8 = arith.cmpi ne, %convert_element_type3A_6, %cond3A_7 : i32
    scf.if %cond3A_8 {
      "tpu.region"() ({
        %run_scoped3A = tpu.sem_alloc : memref<!tpu.dma_semaphore, #tpu.memory_space<semaphore_mem>>
        %dma_start3A_23 = arith.constant 0 : i32
        %dma_start3A_24 = tpu.memref_slice %arg5[%dma_start3A_23] : memref<200xi32, #tpu.memory_space<vmem>> -> memref<104xi32, #tpu.memory_space<vmem>>
        %dma_start3A_25 = arith.constant 6200 : i32
        %dma_start3A_26 = tpu.memref_slice %arg3[%dma_start3A_25] : memref<6304xi32, #tpu.memory_space<hbm>> -> memref<104xi32, #tpu.memory_space<hbm>>
        %dma_start3A_27 = arith.constant 0 : i32
        %dma_start3A_28 = tpu.memref_slice %arg5[%dma_start3A_27] : memref<200xi32, #tpu.memory_space<vmem>> -> memref<104xi32, #tpu.memory_space<vmem>>
        %dma_start3A_29 = arith.constant 6200 : i32
        %dma_start3A_30 = tpu.memref_slice %arg3[%dma_start3A_29] : memref<6304xi32, #tpu.memory_space<hbm>> -> memref<104xi32, #tpu.memory_space<hbm>>
        tpu.enqueue_dma source(%dma_start3A_30 : memref<104xi32, #tpu.memory_space<hbm>>) target(%dma_start3A_28 : memref<104xi32, #tpu.memory_space<vmem>>) target_semaphore(%run_scoped3A : memref<!tpu.dma_semaphore, #tpu.memory_space<semaphore_mem>>)
        %dma_wait3A_31 = arith.constant 0 : i32
        %dma_wait3A_32 = tpu.memref_slice %arg5[%dma_wait3A_31] : memref<200xi32, #tpu.memory_space<vmem>> -> memref<104xi32, #tpu.memory_space<vmem>>
        %dma_wait3A_33 = arith.constant 6200 : i32
        %dma_wait3A_34 = tpu.memref_slice %arg3[%dma_wait3A_33] : memref<6304xi32, #tpu.memory_space<hbm>> -> memref<104xi32, #tpu.memory_space<hbm>>
        %dma_wait3A_35 = arith.constant 0 : i32
        %dma_wait3A_36 = tpu.memref_slice %arg5[%dma_wait3A_35] : memref<200xi32, #tpu.memory_space<vmem>> -> memref<104xi32, #tpu.memory_space<vmem>>
        %dma_wait3A_37 = arith.constant 6200 : i32
        %dma_wait3A_38 = tpu.memref_slice %arg3[%dma_wait3A_37] : memref<6304xi32, #tpu.memory_space<hbm>> -> memref<104xi32, #tpu.memory_space<hbm>>
        tpu.wait_dma2 semaphore(%run_scoped3A : memref<!tpu.dma_semaphore, #tpu.memory_space<semaphore_mem>>) src(%dma_wait3A_38 : memref<104xi32, #tpu.memory_space<hbm>>) dst(%dma_wait3A_36 : memref<104xi32, #tpu.memory_space<vmem>>)
        tpu.yield
      }) : () -> ()
      %dma_start3A = arith.constant 0 : i32
      %dma_start3A_9 = arith.constant 0 : i32
      %dma_start3A_10 = tpu.memref_slice %arg6[%dma_start3A, %dma_start3A_9] : memref<200x384xf32, #tpu.memory_space<vmem>> -> memref<104x384xf32, #tpu.memory_space<vmem>>
      %dma_start3A_11 = arith.constant 0 : i32
      %dma_start3A_12 = tpu.memref_slice %arg5[%dma_start3A_11] : memref<200xi32, #tpu.memory_space<vmem>> -> memref<104xi32, #tpu.memory_space<vmem>>
      %dma_start3A_13 = arith.constant 0 : i32
      %dma_start3A_14 = arith.constant 0 : i32
      %dma_start3A_15 = tpu.memref_slice %arg2[%dma_start3A_13, %dma_start3A_14] : memref<6304x384xf32, #tpu.memory_space<hbm>> -> memref<6304x384xf32, #tpu.memory_space<hbm>>
      tpu.enqueue_indirect_dma source(%dma_start3A_15 : memref<6304x384xf32, #tpu.memory_space<hbm>>) target(%dma_start3A_10 : memref<104x384xf32, #tpu.memory_space<vmem>>) offsets(%dma_start3A_12 : memref<104xi32, #tpu.memory_space<vmem>>) semaphore(%arg7 : memref<!tpu.dma_semaphore, #tpu.memory_space<semaphore_mem>>)
      %dma_wait3A = arith.constant 0 : i32
      %dma_wait3A_16 = arith.constant 0 : i32
      %dma_wait3A_17 = tpu.memref_slice %arg6[%dma_wait3A, %dma_wait3A_16] : memref<200x384xf32, #tpu.memory_space<vmem>> -> memref<104x384xf32, #tpu.memory_space<vmem>>
      %dma_wait3A_18 = arith.constant 0 : i32
      %dma_wait3A_19 = tpu.memref_slice %arg5[%dma_wait3A_18] : memref<200xi32, #tpu.memory_space<vmem>> -> memref<104xi32, #tpu.memory_space<vmem>>
      %dma_wait3A_20 = arith.constant 0 : i32
      %dma_wait3A_21 = arith.constant 0 : i32
      %dma_wait3A_22 = tpu.memref_slice %arg2[%dma_wait3A_20, %dma_wait3A_21] : memref<6304x384xf32, #tpu.memory_space<hbm>> -> memref<6304x384xf32, #tpu.memory_space<hbm>>
      tpu.wait_indirect_dma semaphore(%arg7 : memref<!tpu.dma_semaphore, #tpu.memory_space<semaphore_mem>>) src(%dma_wait3A_22 : memref<6304x384xf32, #tpu.memory_space<hbm>>) dst(%dma_wait3A_17 : memref<104x384xf32, #tpu.memory_space<vmem>>)
      "tpu.region"() ({
        %run_scoped3A = tpu.sem_alloc : memref<!tpu.dma_semaphore, #tpu.memory_space<semaphore_mem>>
        %dma_start3A_23 = arith.constant 0 : i32
        %dma_start3A_24 = arith.constant 0 : i32
        %dma_start3A_25 = tpu.memref_slice %arg6[%dma_start3A_23, %dma_start3A_24] : memref<200x384xf32, #tpu.memory_space<vmem>> -> memref<104x384xf32, #tpu.memory_space<vmem>>
        %dma_start3A_26 = arith.constant 6200 : i32
        %dma_start3A_27 = arith.constant 0 : i32
        %dma_start3A_28 = tpu.memref_slice %arg4[%dma_start3A_26, %dma_start3A_27] : memref<6304x384xf32, #tpu.memory_space<hbm>> -> memref<104x384xf32, #tpu.memory_space<hbm>>
        %dma_start3A_29 = arith.constant 6200 : i32
        %dma_start3A_30 = arith.constant 0 : i32
        %dma_start3A_31 = tpu.memref_slice %arg4[%dma_start3A_29, %dma_start3A_30] : memref<6304x384xf32, #tpu.memory_space<hbm>> -> memref<104x384xf32, #tpu.memory_space<hbm>>
        %dma_start3A_32 = arith.constant 0 : i32
        %dma_start3A_33 = arith.constant 0 : i32
        %dma_start3A_34 = tpu.memref_slice %arg6[%dma_start3A_32, %dma_start3A_33] : memref<200x384xf32, #tpu.memory_space<vmem>> -> memref<104x384xf32, #tpu.memory_space<vmem>>
        tpu.enqueue_dma source(%dma_start3A_34 : memref<104x384xf32, #tpu.memory_space<vmem>>) target(%dma_start3A_31 : memref<104x384xf32, #tpu.memory_space<hbm>>) target_semaphore(%run_scoped3A : memref<!tpu.dma_semaphore, #tpu.memory_space<semaphore_mem>>)
        %dma_wait3A_35 = arith.constant 0 : i32
        %dma_wait3A_36 = arith.constant 0 : i32
        %dma_wait3A_37 = tpu.memref_slice %arg6[%dma_wait3A_35, %dma_wait3A_36] : memref<200x384xf32, #tpu.memory_space<vmem>> -> memref<104x384xf32, #tpu.memory_space<vmem>>
        %dma_wait3A_38 = arith.constant 6200 : i32
        %dma_wait3A_39 = arith.constant 0 : i32
        %dma_wait3A_40 = tpu.memref_slice %arg4[%dma_wait3A_38, %dma_wait3A_39] : memref<6304x384xf32, #tpu.memory_space<hbm>> -> memref<104x384xf32, #tpu.memory_space<hbm>>
        %dma_wait3A_41 = arith.constant 6200 : i32
        %dma_wait3A_42 = arith.constant 0 : i32
        %dma_wait3A_43 = tpu.memref_slice %arg4[%dma_wait3A_41, %dma_wait3A_42] : memref<6304x384xf32, #tpu.memory_space<hbm>> -> memref<104x384xf32, #tpu.memory_space<hbm>>
        %dma_wait3A_44 = arith.constant 0 : i32
        %dma_wait3A_45 = arith.constant 0 : i32
        %dma_wait3A_46 = tpu.memref_slice %arg6[%dma_wait3A_44, %dma_wait3A_45] : memref<200x384xf32, #tpu.memory_space<vmem>> -> memref<104x384xf32, #tpu.memory_space<vmem>>
        tpu.wait_dma2 semaphore(%run_scoped3A : memref<!tpu.dma_semaphore, #tpu.memory_space<semaphore_mem>>) src(%dma_wait3A_46 : memref<104x384xf32, #tpu.memory_space<vmem>>) dst(%dma_wait3A_43 : memref<104x384xf32, #tpu.memory_space<hbm>>)
        tpu.yield
      }) : () -> ()
    } else {
    }
    return
  }
}

module attributes {stable_mosaic.version = 14 : i64} {
  func.func @_rank_kernel(%arg0: i32, %arg1: memref<1x1x196xf32, #tpu.memory_space<vmem>>, %arg2: memref<1x1x196xf32, #tpu.memory_space<vmem>>, %arg3: memref<1x1x196xf32, #tpu.memory_space<vmem>>) attributes {dimension_semantics = [#tpu.dimension_semantics<arbitrary>], iteration_bounds = array<i64: 32>, scalar_prefetch = 0 : i64, scratch_operands = 0 : i64, tpu.core_type = #tpu.core_type<tc>, window_params = [{transform_indices = @transform_0, window_bounds = array<i64: 1, 1, 196>}, {transform_indices = @transform_1, window_bounds = array<i64: 1, 1, 196>}, {transform_indices = @transform_2, window_bounds = array<i64: 1, 1, 196>}]} {
    %get3A = arith.constant 0 : index
    %get3A_0 = arith.constant 0 : index
    %get3A_1 = arith.constant 0 : index
    %get3A_2 = vector.load %arg1[%get3A, %get3A_0, %get3A_1] : memref<1x1x196xf32, #tpu.memory_space<vmem>>, vector<1x1x196xf32>
    %get3A_3 = vector.shape_cast %get3A_2 : vector<1x1x196xf32> to vector<1x196xf32>
    %broadcast_in_dim3A = vector.shape_cast %get3A_3 : vector<1x196xf32> to vector<1x196xf32>
    %broadcast_in_dim3A_4 = vector.broadcast %broadcast_in_dim3A : vector<1x196xf32> to vector<196x196xf32>
    %iota3A = tpu.iota {dimensions = array<i32: 0>} : vector<196x196xi32>
    %iota3A_5 = tpu.iota {dimensions = array<i32: 1>} : vector<196x196xi32>
    %eq3A = arith.cmpi eq, %iota3A, %iota3A_5 : vector<196x196xi32>
    %convert_element_type3A = arith.extui %eq3A : vector<196x196xi1> to vector<196x196xi32>
    %convert_element_type3A_6 = arith.sitofp %convert_element_type3A : vector<196x196xi32> to vector<196x196xf32>
    %mul3A = arith.mulf %broadcast_in_dim3A_4, %convert_element_type3A_6 : vector<196x196xf32>
    %reduce_sum3A = arith.constant dense<0.000000e+00> : vector<196xf32>
    %reduce_sum3A_7 = vector.multi_reduction <add>, %mul3A, %reduce_sum3A [1] : vector<196x196xf32> to vector<196xf32>
    %broadcast_in_dim3A_8 = vector.shape_cast %reduce_sum3A_7 : vector<196xf32> to vector<196x1xf32>
    %iota3A_9 = tpu.iota {dimensions = array<i32: 0>} : vector<196x196xi32>
    %iota3A_10 = tpu.iota {dimensions = array<i32: 1>} : vector<196x196xi32>
    %broadcast_in_dim3A_11 = vector.shape_cast %broadcast_in_dim3A_8 : vector<196x1xf32> to vector<196x1xf32>
    %broadcast_in_dim3A_12 = vector.broadcast %broadcast_in_dim3A_11 : vector<196x1xf32> to vector<196x196xf32>
    %broadcast_in_dim3A_13 = vector.shape_cast %get3A_3 : vector<1x196xf32> to vector<1x196xf32>
    %broadcast_in_dim3A_14 = vector.broadcast %broadcast_in_dim3A_13 : vector<1x196xf32> to vector<196x196xf32>
    %lt3A = arith.cmpf olt, %broadcast_in_dim3A_14, %broadcast_in_dim3A_12 : vector<196x196xf32>
    %eq3A_15 = arith.cmpf oeq, %broadcast_in_dim3A_14, %broadcast_in_dim3A_12 : vector<196x196xf32>
    %lt3A_16 = arith.cmpi slt, %iota3A_10, %iota3A_9 : vector<196x196xi32>
    %and3A = arith.andi %eq3A_15, %lt3A_16 : vector<196x196xi1>
    %or3A = arith.ori %lt3A, %and3A : vector<196x196xi1>
    %convert_element_type3A_17 = arith.extui %or3A : vector<196x196xi1> to vector<196x196xi32>
    %convert_element_type3A_18 = arith.sitofp %convert_element_type3A_17 : vector<196x196xi32> to vector<196x196xf32>
    %reduce_sum3A_19 = arith.constant dense<0.000000e+00> : vector<196xf32>
    %reduce_sum3A_20 = vector.multi_reduction <add>, %convert_element_type3A_18, %reduce_sum3A_19 [1] : vector<196x196xf32> to vector<196xf32>
    %broadcast_in_dim3A_21 = vector.shape_cast %reduce_sum3A_20 : vector<196xf32> to vector<196x1xf32>
    %broadcast_in_dim3A_22 = vector.shape_cast %broadcast_in_dim3A_21 : vector<196x1xf32> to vector<196x1xf32>
    %broadcast_in_dim3A_23 = vector.broadcast %broadcast_in_dim3A_22 : vector<196x1xf32> to vector<196x196xf32>
    %iota3A_24 = tpu.iota {dimensions = array<i32: 0>} : vector<196x196xi32>
    %iota3A_25 = tpu.iota {dimensions = array<i32: 1>} : vector<196x196xi32>
    %eq3A_26 = arith.cmpi eq, %iota3A_24, %iota3A_25 : vector<196x196xi32>
    %convert_element_type3A_27 = arith.extui %eq3A_26 : vector<196x196xi1> to vector<196x196xi32>
    %convert_element_type3A_28 = arith.sitofp %convert_element_type3A_27 : vector<196x196xi32> to vector<196x196xf32>
    %mul3A_29 = arith.mulf %broadcast_in_dim3A_23, %convert_element_type3A_28 : vector<196x196xf32>
    %reduce_sum3A_30 = arith.constant dense<0.000000e+00> : vector<196xf32>
    %reduce_sum3A_31 = vector.multi_reduction <add>, %mul3A_29, %reduce_sum3A_30 [0] : vector<196x196xf32> to vector<196xf32>
    %broadcast_in_dim3A_32 = vector.shape_cast %reduce_sum3A_31 : vector<196xf32> to vector<1x196xf32>
    %broadcast_in_dim3A_33 = vector.shape_cast %broadcast_in_dim3A_32 : vector<1x196xf32> to vector<1x196xf32>
    %broadcast_in_dim3A_34 = vector.broadcast %broadcast_in_dim3A_33 : vector<1x196xf32> to vector<196x196xf32>
    %convert_element_type3A_35 = arith.sitofp %iota3A_9 : vector<196x196xi32> to vector<196x196xf32>
    %eq3A_36 = arith.cmpf oeq, %broadcast_in_dim3A_34, %convert_element_type3A_35 : vector<196x196xf32>
    %convert_element_type3A_37 = arith.extui %eq3A_36 : vector<196x196xi1> to vector<196x196xi32>
    %convert_element_type3A_38 = arith.sitofp %convert_element_type3A_37 : vector<196x196xi32> to vector<196x196xf32>
    %mul3A_39 = arith.mulf %convert_element_type3A_38, %broadcast_in_dim3A_14 : vector<196x196xf32>
    %reduce_sum3A_40 = arith.constant dense<0.000000e+00> : vector<196xf32>
    %reduce_sum3A_41 = vector.multi_reduction <add>, %mul3A_39, %reduce_sum3A_40 [1] : vector<196x196xf32> to vector<196xf32>
    %broadcast_in_dim3A_42 = vector.shape_cast %reduce_sum3A_41 : vector<196xf32> to vector<196x1xf32>
    %convert_element_type3A_43 = arith.sitofp %iota3A_10 : vector<196x196xi32> to vector<196x196xf32>
    %mul3A_44 = arith.mulf %convert_element_type3A_38, %convert_element_type3A_43 : vector<196x196xf32>
    %reduce_sum3A_45 = arith.constant dense<0.000000e+00> : vector<196xf32>
    %reduce_sum3A_46 = vector.multi_reduction <add>, %mul3A_44, %reduce_sum3A_45 [1] : vector<196x196xf32> to vector<196xf32>
    %broadcast_in_dim3A_47 = vector.shape_cast %reduce_sum3A_46 : vector<196xf32> to vector<196x1xf32>
    %broadcast_in_dim3A_48 = vector.shape_cast %broadcast_in_dim3A_42 : vector<196x1xf32> to vector<196x1xf32>
    %broadcast_in_dim3A_49 = vector.broadcast %broadcast_in_dim3A_48 : vector<196x1xf32> to vector<196x196xf32>
    %iota3A_50 = tpu.iota {dimensions = array<i32: 0>} : vector<196x196xi32>
    %iota3A_51 = tpu.iota {dimensions = array<i32: 1>} : vector<196x196xi32>
    %eq3A_52 = arith.cmpi eq, %iota3A_50, %iota3A_51 : vector<196x196xi32>
    %convert_element_type3A_53 = arith.extui %eq3A_52 : vector<196x196xi1> to vector<196x196xi32>
    %convert_element_type3A_54 = arith.sitofp %convert_element_type3A_53 : vector<196x196xi32> to vector<196x196xf32>
    %mul3A_55 = arith.mulf %broadcast_in_dim3A_49, %convert_element_type3A_54 : vector<196x196xf32>
    %reduce_sum3A_56 = arith.constant dense<0.000000e+00> : vector<196xf32>
    %reduce_sum3A_57 = vector.multi_reduction <add>, %mul3A_55, %reduce_sum3A_56 [0] : vector<196x196xf32> to vector<196xf32>
    %broadcast_in_dim3A_58 = vector.shape_cast %reduce_sum3A_57 : vector<196xf32> to vector<1x196xf32>
    %swap3A = arith.constant 0 : index
    %swap3A_59 = arith.constant 0 : index
    %swap3A_60 = arith.constant 0 : index
    %swap3A_61 = vector.load %arg2[%swap3A, %swap3A_59, %swap3A_60] : memref<1x1x196xf32, #tpu.memory_space<vmem>>, vector<1x1x196xf32>
    %swap3A_62 = vector.shape_cast %swap3A_61 : vector<1x1x196xf32> to vector<1x196xf32>
    %swap3A_63 = vector.shape_cast %broadcast_in_dim3A_58 : vector<1x196xf32> to vector<1x1x196xf32>
    tpu.vector_store %arg2[%swap3A, %swap3A_59, %swap3A_60], %swap3A_63 {strides = array<i32>} : memref<1x1x196xf32, #tpu.memory_space<vmem>>, vector<1x1x196xf32>,
    %broadcast_in_dim3A_64 = vector.shape_cast %broadcast_in_dim3A_47 : vector<196x1xf32> to vector<196x1xf32>
    %broadcast_in_dim3A_65 = vector.broadcast %broadcast_in_dim3A_64 : vector<196x1xf32> to vector<196x196xf32>
    %iota3A_66 = tpu.iota {dimensions = array<i32: 0>} : vector<196x196xi32>
    %iota3A_67 = tpu.iota {dimensions = array<i32: 1>} : vector<196x196xi32>
    %eq3A_68 = arith.cmpi eq, %iota3A_66, %iota3A_67 : vector<196x196xi32>
    %convert_element_type3A_69 = arith.extui %eq3A_68 : vector<196x196xi1> to vector<196x196xi32>
    %convert_element_type3A_70 = arith.sitofp %convert_element_type3A_69 : vector<196x196xi32> to vector<196x196xf32>
    %mul3A_71 = arith.mulf %broadcast_in_dim3A_65, %convert_element_type3A_70 : vector<196x196xf32>
    %reduce_sum3A_72 = arith.constant dense<0.000000e+00> : vector<196xf32>
    %reduce_sum3A_73 = vector.multi_reduction <add>, %mul3A_71, %reduce_sum3A_72 [0] : vector<196x196xf32> to vector<196xf32>
    %broadcast_in_dim3A_74 = vector.shape_cast %reduce_sum3A_73 : vector<196xf32> to vector<1x196xf32>
    %swap3A_75 = arith.constant 0 : index
    %swap3A_76 = arith.constant 0 : index
    %swap3A_77 = arith.constant 0 : index
    %swap3A_78 = vector.load %arg3[%swap3A_75, %swap3A_76, %swap3A_77] : memref<1x1x196xf32, #tpu.memory_space<vmem>>, vector<1x1x196xf32>
    %swap3A_79 = vector.shape_cast %swap3A_78 : vector<1x1x196xf32> to vector<1x196xf32>
    %swap3A_80 = vector.shape_cast %broadcast_in_dim3A_74 : vector<1x196xf32> to vector<1x1x196xf32>
    tpu.vector_store %arg3[%swap3A_75, %swap3A_76, %swap3A_77], %swap3A_80 {strides = array<i32>} : memref<1x1x196xf32, #tpu.memory_space<vmem>>, vector<1x1x196xf32>,
    return
  }
  func.func @transform_0(%arg0: i32) -> (i32, i32, i32) {
    %c0_i32 = arith.constant 0 : i32
    %c0_i32_0 = arith.constant 0 : i32
    %c0_i32_1 = arith.constant 0 : i32
    return %arg0, %c0_i32, %c0_i32_0 : i32, i32, i32
  }
  func.func @transform_1(%arg0: i32) -> (i32, i32, i32) {
    %c0_i32 = arith.constant 0 : i32
    %c0_i32_0 = arith.constant 0 : i32
    %c0_i32_1 = arith.constant 0 : i32
    return %arg0, %c0_i32, %c0_i32_0 : i32, i32, i32
  }
  func.func @transform_2(%arg0: i32) -> (i32, i32, i32) {
    %c0_i32 = arith.constant 0 : i32
    %c0_i32_0 = arith.constant 0 : i32
    %c0_i32_1 = arith.constant 0 : i32
    return %arg0, %c0_i32, %c0_i32_0 : i32, i32, i32
  }
}

module attributes {stable_mosaic.version = 14 : i64} {
  func.func @_cdf_kernel(%arg0: i32, %arg1: memref<32x1x196xf32, #tpu.memory_space<vmem>>, %arg2: memref<32x1x196xf32, #tpu.memory_space<vmem>>, %arg3: memref<196x32xf32, #tpu.memory_space<vmem>>, %arg4: memref<196x32xf32, #tpu.memory_space<vmem>>) attributes {dimension_semantics = [#tpu.dimension_semantics<arbitrary>], iteration_bounds = array<i64: 1>, scalar_prefetch = 0 : i64, scratch_operands = 2 : i64, tpu.core_type = #tpu.core_type<tc>, window_params = [{pipeline_mode = #tpu.pipeline_mode<synchronous>, transform_indices = @transform_0, window_bounds = array<i64: 32, 1, 196>}, {pipeline_mode = #tpu.pipeline_mode<synchronous>, transform_indices = @transform_1, window_bounds = array<i64: 32, 1, 196>}]} {
    %get3A = arith.constant 0 : index
    %get3A_0 = arith.constant 0 : index
    %get3A_1 = arith.constant 0 : index
    %get3A_2 = vector.load %arg1[%get3A, %get3A_0, %get3A_1] : memref<32x1x196xf32, #tpu.memory_space<vmem>>, vector<32x1x196xf32>
    %get3A_3 = vector.shape_cast %get3A_2 : vector<32x1x196xf32> to vector<32x196xf32>
    %iota3A = tpu.iota {dimensions = array<i32: 0>} : vector<196x196xi32>
    %iota3A_4 = tpu.iota {dimensions = array<i32: 1>} : vector<196x196xi32>
    %eq3A = arith.cmpi eq, %iota3A, %iota3A_4 : vector<196x196xi32>
    %convert_element_type3A = arith.extui %eq3A : vector<196x196xi1> to vector<196x196xi32>
    %convert_element_type3A_5 = arith.sitofp %convert_element_type3A : vector<196x196xi32> to vector<196x196xf32>
    %dot_general3A = arith.constant dense<0.000000e+00> : vector<196x32xf32>
    %dot_general3A_6 = tpu.matmul %convert_element_type3A_5, %get3A_3, %dot_general3A {dimension_numbers = #tpu.dot_dimension_numbers<[1], [1], [0], [0], [0, 0, 1, 0], [], []>, precision = #tpu.contract_precision<fp32>, transpose_lhs_hint = false} : vector<196x196xf32>, vector<32x196xf32>, vector<196x32xf32> -> vector<196x32xf32>
    %swap3A = arith.constant 0 : index
    %swap3A_7 = arith.constant 0 : index
    %swap3A_8 = vector.load %arg3[%swap3A, %swap3A_7] : memref<196x32xf32, #tpu.memory_space<vmem>>, vector<196x32xf32>
    tpu.vector_store %arg3[%swap3A, %swap3A_7], %dot_general3A_6 {strides = array<i32>} : memref<196x32xf32, #tpu.memory_space<vmem>>, vector<196x32xf32>,
    %broadcast_in_dim3A = arith.constant 0.000000e+00 : f32
    %broadcast_in_dim3A_9 = vector.broadcast %broadcast_in_dim3A : f32 to vector<1x32xf32>
    %scan3A = arith.constant 0 : i32
    %scan3A_10 = arith.constant 128 : i32
    %scan3A_11 = arith.addi %scan3A, %scan3A_10 : i32
    %scan3A_12 = arith.constant 1 : i32
    %scan3A_13 = scf.for %scan3A_46 = %scan3A to %scan3A_11 step %scan3A_12 iter_args(%scan3A_47 = %broadcast_in_dim3A_9) -> (vector<1x32xf32>)  : i32 {
      %get3A_48 = arith.index_cast %scan3A_46 : i32 to index
      %get3A_49 = arith.constant 0 : index
      %get3A_50 = vector.load %arg3[%get3A_48, %get3A_49] : memref<196x32xf32, #tpu.memory_space<vmem>>, vector<1x32xf32>
      %add3A = arith.addf %scan3A_47, %get3A_50 : vector<1x32xf32>
      %swap3A_51 = arith.index_cast %scan3A_46 : i32 to index
      %swap3A_52 = arith.constant 0 : index
      %swap3A_53 = vector.load %arg4[%swap3A_51, %swap3A_52] : memref<196x32xf32, #tpu.memory_space<vmem>>, vector<1x32xf32>
      tpu.vector_store %arg4[%swap3A_51, %swap3A_52], %add3A {strides = array<i32>} : memref<196x32xf32, #tpu.memory_space<vmem>>, vector<1x32xf32>,
      scf.yield %add3A : vector<1x32xf32>
    }
    %scan3A_14 = arith.constant 128 : i32
    %broadcast_in_dim3A_15 = arith.constant 0.000000e+00 : f32
    %broadcast_in_dim3A_16 = vector.broadcast %broadcast_in_dim3A_15 : f32 to vector<1x32xf32>
    %scan3A_17 = arith.constant 128 : i32
    %scan3A_18 = arith.constant 68 : i32
    %scan3A_19 = arith.addi %scan3A_17, %scan3A_18 : i32
    %scan3A_20 = arith.constant 1 : i32
    %scan3A_21 = scf.for %scan3A_46 = %scan3A_17 to %scan3A_19 step %scan3A_20 iter_args(%scan3A_47 = %broadcast_in_dim3A_16) -> (vector<1x32xf32>)  : i32 {
      %get3A_48 = arith.index_cast %scan3A_46 : i32 to index
      %get3A_49 = arith.constant 0 : index
      %get3A_50 = vector.load %arg3[%get3A_48, %get3A_49] : memref<196x32xf32, #tpu.memory_space<vmem>>, vector<1x32xf32>
      %add3A = arith.addf %scan3A_47, %get3A_50 : vector<1x32xf32>
      %add3A_51 = arith.addf %scan3A_13, %add3A : vector<1x32xf32>
      %swap3A_52 = arith.index_cast %scan3A_46 : i32 to index
      %swap3A_53 = arith.constant 0 : index
      %swap3A_54 = vector.load %arg4[%swap3A_52, %swap3A_53] : memref<196x32xf32, #tpu.memory_space<vmem>>, vector<1x32xf32>
      tpu.vector_store %arg4[%swap3A_52, %swap3A_53], %add3A_51 {strides = array<i32>} : memref<196x32xf32, #tpu.memory_space<vmem>>, vector<1x32xf32>,
      scf.yield %add3A : vector<1x32xf32>
    }
    %scan3A_22 = arith.constant 68 : i32
    %get3A_23 = arith.constant 0 : index
    %get3A_24 = arith.constant 0 : index
    %get3A_25 = vector.load %arg4[%get3A_23, %get3A_24] : memref<196x32xf32, #tpu.memory_space<vmem>>, vector<196x32xf32>
    %reduce_min3A = arith.constant dense<0x7F800000> : vector<32xf32>
    %reduce_min3A_26 = vector.multi_reduction <minimumf>, %get3A_25, %reduce_min3A [0] : vector<196x32xf32> to vector<32xf32>
    %broadcast_in_dim3A_27 = vector.shape_cast %reduce_min3A_26 : vector<32xf32> to vector<1x32xf32>
    %reduce_max3A = arith.constant dense<0xFF800000> : vector<32xf32>
    %reduce_max3A_28 = vector.multi_reduction <maximumf>, %get3A_25, %reduce_max3A [0] : vector<196x32xf32> to vector<32xf32>
    %broadcast_in_dim3A_29 = vector.shape_cast %reduce_max3A_28 : vector<32xf32> to vector<1x32xf32>
    %sub3A = vector.broadcast %broadcast_in_dim3A_27 : vector<1x32xf32> to vector<196x32xf32>
    %sub3A_30 = arith.subf %get3A_25, %sub3A : vector<196x32xf32>
    %sub3A_31 = arith.subf %broadcast_in_dim3A_29, %broadcast_in_dim3A_27 : vector<1x32xf32>
    %div3A = vector.broadcast %sub3A_31 : vector<1x32xf32> to vector<196x32xf32>
    %div3A_32 = arith.divf %sub3A_30, %div3A : vector<196x32xf32>
    %iota3A_33 = tpu.iota {dimensions = array<i32: 0>} : vector<32x32xi32>
    %iota3A_34 = tpu.iota {dimensions = array<i32: 1>} : vector<32x32xi32>
    %eq3A_35 = arith.cmpi eq, %iota3A_33, %iota3A_34 : vector<32x32xi32>
    %convert_element_type3A_36 = arith.extui %eq3A_35 : vector<32x32xi1> to vector<32x32xi32>
    %convert_element_type3A_37 = arith.sitofp %convert_element_type3A_36 : vector<32x32xi32> to vector<32x32xf32>
    %dot_general3A_38 = arith.constant dense<0.000000e+00> : vector<32x196xf32>
    %dot_general3A_39 = tpu.matmul %convert_element_type3A_37, %div3A_32, %dot_general3A_38 {dimension_numbers = #tpu.dot_dimension_numbers<[1], [1], [0], [0], [0, 0, 1, 0], [], []>, precision = #tpu.contract_precision<fp32>, transpose_lhs_hint = false} : vector<32x32xf32>, vector<196x32xf32>, vector<32x196xf32> -> vector<32x196xf32>
    %swap3A_40 = arith.constant 0 : index
    %swap3A_41 = arith.constant 0 : index
    %swap3A_42 = arith.constant 0 : index
    %swap3A_43 = vector.load %arg2[%swap3A_40, %swap3A_41, %swap3A_42] : memref<32x1x196xf32, #tpu.memory_space<vmem>>, vector<32x1x196xf32>
    %swap3A_44 = vector.shape_cast %swap3A_43 : vector<32x1x196xf32> to vector<32x196xf32>
    %swap3A_45 = vector.shape_cast %dot_general3A_39 : vector<32x196xf32> to vector<32x1x196xf32>
    tpu.vector_store %arg2[%swap3A_40, %swap3A_41, %swap3A_42], %swap3A_45 {strides = array<i32>} : memref<32x1x196xf32, #tpu.memory_space<vmem>>, vector<32x1x196xf32>,
    return
  }
  func.func @transform_0(%arg0: i32) -> (i32, i32, i32) {
    %c0_i32 = arith.constant 0 : i32
    %c0_i32_0 = arith.constant 0 : i32
    %c0_i32_1 = arith.constant 0 : i32
    %c0_i32_2 = arith.constant 0 : i32
    return %c0_i32, %c0_i32_0, %c0_i32_1 : i32, i32, i32
  }
  func.func @transform_1(%arg0: i32) -> (i32, i32, i32) {
    %c0_i32 = arith.constant 0 : i32
    %c0_i32_0 = arith.constant 0 : i32
    %c0_i32_1 = arith.constant 0 : i32
    %c0_i32_2 = arith.constant 0 : i32
    return %c0_i32, %c0_i32_0, %c0_i32_1 : i32, i32, i32
  }
}

module attributes {stable_mosaic.version = 14 : i64} {
  func.func @_pick_kernel(%arg0: i32, %arg1: memref<1x1x196xf32, #tpu.memory_space<vmem>>, %arg2: memref<1x1x196xf32, #tpu.memory_space<vmem>>, %arg3: memref<1x196xf32, #tpu.memory_space<vmem>>, %arg4: memref<1x1x197xi32, #tpu.memory_space<vmem>>) attributes {dimension_semantics = [#tpu.dimension_semantics<arbitrary>], iteration_bounds = array<i64: 32>, scalar_prefetch = 0 : i64, scratch_operands = 0 : i64, tpu.core_type = #tpu.core_type<tc>, window_params = [{transform_indices = @transform_0, window_bounds = array<i64: 1, 1, 196>}, {transform_indices = @transform_1, window_bounds = array<i64: 1, 1, 196>}, {pipeline_mode = #tpu.pipeline_mode<synchronous>, transform_indices = @transform_2, window_bounds = array<i64: 1, 196>}, {transform_indices = @transform_3, window_bounds = array<i64: 1, 1, 197>}]} {
    %get3A = arith.constant 0 : index
    %get3A_0 = arith.constant 0 : index
    %get3A_1 = arith.constant 0 : index
    %get3A_2 = vector.load %arg1[%get3A, %get3A_0, %get3A_1] : memref<1x1x196xf32, #tpu.memory_space<vmem>>, vector<1x1x196xf32>
    %get3A_3 = vector.shape_cast %get3A_2 : vector<1x1x196xf32> to vector<1x196xf32>
    %get3A_4 = arith.constant 0 : index
    %get3A_5 = arith.constant 0 : index
    %get3A_6 = arith.constant 0 : index
    %get3A_7 = vector.load %arg2[%get3A_4, %get3A_5, %get3A_6] : memref<1x1x196xf32, #tpu.memory_space<vmem>>, vector<1x1x196xf32>
    %get3A_8 = vector.shape_cast %get3A_7 : vector<1x1x196xf32> to vector<1x196xf32>
    %iota3A = tpu.iota {dimensions = array<i32: 1>} : vector<196x196xi32>
    %get3A_9 = arith.constant 0 : index
    %get3A_10 = arith.constant 0 : index
    %get3A_11 = vector.load %arg3[%get3A_9, %get3A_10] : memref<1x196xf32, #tpu.memory_space<vmem>>, vector<1x196xf32>
    %broadcast_in_dim3A = vector.shape_cast %get3A_11 : vector<1x196xf32> to vector<1x196xf32>
    %broadcast_in_dim3A_12 = vector.broadcast %broadcast_in_dim3A : vector<1x196xf32> to vector<196x196xf32>
    %iota3A_13 = tpu.iota {dimensions = array<i32: 0>} : vector<196x196xi32>
    %iota3A_14 = tpu.iota {dimensions = array<i32: 1>} : vector<196x196xi32>
    %eq3A = arith.cmpi eq, %iota3A_13, %iota3A_14 : vector<196x196xi32>
    %convert_element_type3A = arith.extui %eq3A : vector<196x196xi1> to vector<196x196xi32>
    %convert_element_type3A_15 = arith.sitofp %convert_element_type3A : vector<196x196xi32> to vector<196x196xf32>
    %mul3A = arith.mulf %broadcast_in_dim3A_12, %convert_element_type3A_15 : vector<196x196xf32>
    %reduce_sum3A = arith.constant dense<0.000000e+00> : vector<196xf32>
    %reduce_sum3A_16 = vector.multi_reduction <add>, %mul3A, %reduce_sum3A [1] : vector<196x196xf32> to vector<196xf32>
    %broadcast_in_dim3A_17 = vector.shape_cast %reduce_sum3A_16 : vector<196xf32> to vector<196x1xf32>
    %broadcast_in_dim3A_18 = vector.shape_cast %broadcast_in_dim3A_17 : vector<196x1xf32> to vector<196x1xf32>
    %broadcast_in_dim3A_19 = vector.broadcast %broadcast_in_dim3A_18 : vector<196x1xf32> to vector<196x196xf32>
    %broadcast_in_dim3A_20 = vector.shape_cast %get3A_3 : vector<1x196xf32> to vector<1x196xf32>
    %broadcast_in_dim3A_21 = vector.broadcast %broadcast_in_dim3A_20 : vector<1x196xf32> to vector<196x196xf32>
    %sub3A = arith.subf %broadcast_in_dim3A_19, %broadcast_in_dim3A_21 : vector<196x196xf32>
    %abs3A = math.absf %sub3A : vector<196x196xf32>
    %reduce_min3A = arith.constant dense<0x7F800000> : vector<196xf32>
    %reduce_min3A_22 = vector.multi_reduction <minimumf>, %abs3A, %reduce_min3A [1] : vector<196x196xf32> to vector<196xf32>
    %broadcast_in_dim3A_23 = vector.shape_cast %reduce_min3A_22 : vector<196xf32> to vector<196x1xf32>
    %eq3A_24 = vector.broadcast %broadcast_in_dim3A_23 : vector<196x1xf32> to vector<196x196xf32>
    %eq3A_25 = arith.cmpf oeq, %abs3A, %eq3A_24 : vector<196x196xf32>
    %jit3A = arith.constant 196 : i32
    %broadcast_in_dim3A_26 = vector.broadcast %jit3A : i32 to vector<196x196xi32>
    %select_n3A = arith.select %eq3A_25, %iota3A, %broadcast_in_dim3A_26 : vector<196x196xi1>, vector<196x196xi32>
    %reduce_min3A_27 = arith.constant dense<2147483647> : vector<196xi32>
    %reduce_min3A_28 = vector.multi_reduction <minsi>, %select_n3A, %reduce_min3A_27 [1] : vector<196x196xi32> to vector<196xi32>
    %broadcast_in_dim3A_29 = vector.shape_cast %reduce_min3A_28 : vector<196xi32> to vector<196x1xi32>
    %convert_element_type3A_30 = arith.sitofp %broadcast_in_dim3A_29 : vector<196x1xi32> to vector<196x1xf32>
    %convert_element_type3A_31 = arith.sitofp %iota3A : vector<196x196xi32> to vector<196x196xf32>
    %broadcast_in_dim3A_32 = vector.shape_cast %convert_element_type3A_30 : vector<196x1xf32> to vector<196x1xf32>
    %broadcast_in_dim3A_33 = vector.broadcast %broadcast_in_dim3A_32 : vector<196x1xf32> to vector<196x196xf32>
    %eq3A_34 = arith.cmpf oeq, %convert_element_type3A_31, %broadcast_in_dim3A_33 : vector<196x196xf32>
    %convert_element_type3A_35 = arith.extui %eq3A_34 : vector<196x196xi1> to vector<196x196xi32>
    %convert_element_type3A_36 = arith.sitofp %convert_element_type3A_35 : vector<196x196xi32> to vector<196x196xf32>
    %broadcast_in_dim3A_37 = vector.shape_cast %get3A_8 : vector<1x196xf32> to vector<1x196xf32>
    %broadcast_in_dim3A_38 = vector.broadcast %broadcast_in_dim3A_37 : vector<1x196xf32> to vector<196x196xf32>
    %mul3A_39 = arith.mulf %convert_element_type3A_36, %broadcast_in_dim3A_38 : vector<196x196xf32>
    %reduce_sum3A_40 = arith.constant dense<0.000000e+00> : vector<196xf32>
    %reduce_sum3A_41 = vector.multi_reduction <add>, %mul3A_39, %reduce_sum3A_40 [1] : vector<196x196xf32> to vector<196xf32>
    %broadcast_in_dim3A_42 = vector.shape_cast %reduce_sum3A_41 : vector<196xf32> to vector<196x1xf32>
    %broadcast_in_dim3A_43 = arith.constant 0.000000e+00 : f32
    %broadcast_in_dim3A_44 = vector.broadcast %broadcast_in_dim3A_43 : f32 to vector<1x1xf32>
    %add3A = arith.constant 1.000000e+00 : f32
    %add3A_45 = vector.broadcast %add3A : f32 to vector<196x1xf32>
    %add3A_46 = arith.addf %broadcast_in_dim3A_42, %add3A_45 : vector<196x1xf32>
    %concatenate3A = tpu.concatenate %broadcast_in_dim3A_44, %add3A_46 in 0 : vector<1x1xf32>, vector<196x1xf32> -> vector<197x1xf32>
    %convert_element_type3A_47 = arith.fptosi %concatenate3A : vector<197x1xf32> to vector<197x1xi32>
    %mul3A_48 = arith.constant 197 : i32
    %mul3A_49 = arith.muli %arg0, %mul3A_48 : i32
    %add3A_50 = vector.broadcast %mul3A_49 : i32 to vector<197x1xi32>
    %add3A_51 = arith.addi %convert_element_type3A_47, %add3A_50 : vector<197x1xi32>
    %iota3A_52 = tpu.iota {dimensions = array<i32: 0>} : vector<197x197xi32>
    %iota3A_53 = tpu.iota {dimensions = array<i32: 1>} : vector<197x197xi32>
    %eq3A_54 = arith.cmpi eq, %iota3A_52, %iota3A_53 : vector<197x197xi32>
    %convert_element_type3A_55 = arith.extui %eq3A_54 : vector<197x197xi1> to vector<197x197xi32>
    %convert_element_type3A_56 = arith.sitofp %convert_element_type3A_55 : vector<197x197xi32> to vector<197x197xf32>
    %convert_element_type3A_57 = arith.sitofp %add3A_51 : vector<197x1xi32> to vector<197x1xf32>
    %broadcast_in_dim3A_58 = vector.shape_cast %convert_element_type3A_57 : vector<197x1xf32> to vector<197x1xf32>
    %broadcast_in_dim3A_59 = vector.broadcast %broadcast_in_dim3A_58 : vector<197x1xf32> to vector<197x197xf32>
    %mul3A_60 = arith.mulf %broadcast_in_dim3A_59, %convert_element_type3A_56 : vector<197x197xf32>
    %reduce_sum3A_61 = arith.constant dense<0.000000e+00> : vector<197xf32>
    %reduce_sum3A_62 = vector.multi_reduction <add>, %mul3A_60, %reduce_sum3A_61 [0] : vector<197x197xf32> to vector<197xf32>
    %broadcast_in_dim3A_63 = vector.shape_cast %reduce_sum3A_62 : vector<197xf32> to vector<1x197xf32>
    %convert_element_type3A_64 = arith.fptosi %broadcast_in_dim3A_63 : vector<1x197xf32> to vector<1x197xi32>
    %swap3A = arith.constant 0 : index
    %swap3A_65 = arith.constant 0 : index
    %swap3A_66 = arith.constant 0 : index
    %swap3A_67 = vector.load %arg4[%swap3A, %swap3A_65, %swap3A_66] : memref<1x1x197xi32, #tpu.memory_space<vmem>>, vector<1x1x197xi32>
    %swap3A_68 = vector.shape_cast %swap3A_67 : vector<1x1x197xi32> to vector<1x197xi32>
    %swap3A_69 = vector.shape_cast %convert_element_type3A_64 : vector<1x197xi32> to vector<1x1x197xi32>
    tpu.vector_store %arg4[%swap3A, %swap3A_65, %swap3A_66], %swap3A_69 {strides = array<i32>} : memref<1x1x197xi32, #tpu.memory_space<vmem>>, vector<1x1x197xi32>,
    return
  }
  func.func @transform_0(%arg0: i32) -> (i32, i32, i32) {
    %c0_i32 = arith.constant 0 : i32
    %c0_i32_0 = arith.constant 0 : i32
    %c0_i32_1 = arith.constant 0 : i32
    return %arg0, %c0_i32, %c0_i32_0 : i32, i32, i32
  }
  func.func @transform_1(%arg0: i32) -> (i32, i32, i32) {
    %c0_i32 = arith.constant 0 : i32
    %c0_i32_0 = arith.constant 0 : i32
    %c0_i32_1 = arith.constant 0 : i32
    return %arg0, %c0_i32, %c0_i32_0 : i32, i32, i32
  }
  func.func @transform_2(%arg0: i32) -> (i32, i32) {
    %c0_i32 = arith.constant 0 : i32
    %c0_i32_0 = arith.constant 0 : i32
    %c0_i32_1 = arith.constant 0 : i32
    return %c0_i32, %c0_i32_0 : i32, i32
  }
  func.func @transform_3(%arg0: i32) -> (i32, i32, i32) {
    %c0_i32 = arith.constant 0 : i32
    %c0_i32_0 = arith.constant 0 : i32
    %c0_i32_1 = arith.constant 0 : i32
    return %arg0, %c0_i32, %c0_i32_0 : i32, i32, i32
  }
}

</mosaic_0001>

<sc_bundles>
// kernel: kernel.6.cloned.1.call-start
scs
__scs_entry_jumppad:
0x0: {  	(pc) =	sbr.rel $0x88, $3  }
0x1: {  	(tag) =	ssettag $0x0;
	lr =	simm.s32 $0x1  }
0x2: {  	[smem:$0x3F9C] =	sst lr;
	_ =	strace $0xD0000000  }
0x3: {  	_ = 	snop  }
0x4: {  	_ = 	snop  }
0x5: {  	_ = 	snop  }
0x6: {  	_ = 	snop  }
0x7: {  	_ = 	snop  }
__scs_overlays_trampoline_lowered:
0x8: {  	[smem:$0x3FAB] =	sst s0  }
0x9: {  	[smem:$0x3FAC] =	sst s1  }
0xa: {  	[smem:$0x3FAD] =	sst s2  }
0xb: {  	[smem:$0x3FAE] =	sst s3  }
0xc: {  	[smem:$0x3FAF] =	sst s4  }
0xd: {  	[smem:$0x3FB0] =	sst s5  }
0xe: {  	[smem:$0x3FB1] =	sst s6  }
0xf: {  	[smem:$0x3FB2] =	sst s7  }
0x10: {  	[smem:$0x3FB3] =	sst s8  }
0x11: {  	[smem:$0x3FB4] =	sst s9;
	s0 =	simm.s32 @!p0 $0x0  }
0x12: {  	s1 =	sld [smem:$0x3F9A];
	s0 =	simm.s32 @p0 $0x1  }
0x13: {  	[smem:$0x3FB5] =	sst s0;
	s0 =	simm.s32 @!p1 $0x0  }
0x14: {  	s2 =	sld [smem:$0x3F99];
	s0 =	simm.s32 @p1 $0x1  }
0x15: {  	[smem:$0x3FB6] =	sst s0;
	s0 =	simm.s32 @!p2 $0x0  }
0x16: {  	s3 =	sld [smem:$0x3FDB];
	s0 =	simm.s32 @p2 $0x1  }
0x17: {  	s4 =	simm.s32 $0x1BF5;
	[smem:$0x3FB8] =	sst s0  }
0x18: {  	s0 =	sld [smem:$0x3F9B];
	_ =	swait.ge [sflag:s4], $0x0  }
0x19: {  	s7 =	sld [smem:$0x3F9C]  }
0x1a: {  	s8 =	sadd.s32 $0xFFFFE003, lr  }
0x1b: {  	s9 =	sadd.s32 $0xFFFFFEF7, lr;
	s5 =	simm.s32 $0xFFFFFFFF;
	p2 =	slt.u32 s8, $0xFFFFF086  }
0x1c: {  	p1 =	slt.u32 s9, $0xF7A;
	s5 =	simm.s32 @!p2 $0x0  }
0x1d: {  	s5 =	simm.s32 @p1 $0x1;
	p0 =	seq.s32 s7, s2  }
0x1e: {  	s7 =	smul.u32 @!p0 $0xF7A, s2;
	p2 =	seq.s32 @!p0 s5, $0x0  }
0x1f: {  	s9 =	smul.u32 $0xF7A, s1;
	s8 =	simm.s32 @!p0 $0x1BF5;
	p2 =	por !p2, p0  }
0x20: {  	[sflag:s8] =	ssyncset.s32 @!p0 $0xFFFFF086;
	s6 =	sadd.s32 @!p0 s3, s7;
	s7 =	simm.s32 @!p0 $0x108  }
0x21: {  	s3 =	sadd.s32 s3, s9;
	s6 =	sadd.s32 @!p0 $0x88, s6;
	s7 =	simm.s32 @p2 $0x1082  }
0x22: {  	[simem:s7], [sflag:s8] =	dma.local @!p0 [hbm:s6], $0xF7A  }
0x23: {  	s9 =	sor.u32 $0xD0000000, s2;
	s6 =	simm.s32 $0x108;
	_ =	swait.ge @!p0 [sflag:s8], $0x0  }
0x24: {  	s3 =	sadd.s32 $0x88, s3;
	s6 =	simm.s32 @!p1 $0x1082;
	[sflag:s4] =	ssyncset.s32 $0xFFFFF086  }
0x25: {  	[simem:s6], [sflag:s4] =	dma.local [hbm:s3], $0xF7A  }
0x26: {  	[smem:$0x3F9C] =	sst s1;
	(tag) =	ssettag s2;
	_ =	strace s9  }
0x27: {  	s1 =	sld [smem:$0x3FAC]  }
0x28: {  	s2 =	sld [smem:$0x3FAD]  }
0x29: {  	s4 =	sld [smem:$0x3FAF]  }
0x2a: {  	p0 =	seq.s32 s5, $0x0;
	s5 =	sld [smem:$0x3FB0]  }
0x2b: {  	s6 =	sld [smem:$0x3FB1]  }
0x2c: {  	s7 =	sld [smem:$0x3FB2]  }
0x2d: {  	s3 =	simm.s32 $0x108;
	s8 =	sld [smem:$0x3FB3]  }
0x2e: {  	s3 =	simm.s32 @!p0 $0x1082;
	s9 =	sld [smem:$0x3FB4]  }
0x2f: {  	lr =	sadd.s32 s0, s3;
	s0 =	sld [smem:$0x3FAB]  }
0x30: {  	s3 =	sld [smem:$0x3FAE]  }
0x31: {  	[smem:$0x3FB7] =	sst s10  }
0x32: {  	s10 =	sld [smem:$0x3FB5];
	_ =	sdelay $0x3  }
0x33: {  	p0 =	seq.s32 s10, $0x1;
	s10 =	sld [smem:$0x3FB7];
	_ =	sdelay $0x3  }
0x34: {  	[smem:$0x3FB7] =	sst s10  }
0x35: {  	s10 =	sld [smem:$0x3FB6];
	_ =	sdelay $0x3  }
0x36: {  	p1 =	seq.s32 s10, $0x1;
	s10 =	sld [smem:$0x3FB7];
	_ =	sdelay $0x3  }
0x37: {  	[smem:$0x3FB7] =	sst s10  }
0x38: {  	s10 =	sld [smem:$0x3FB8]  }
0x39: {  	_ = 	snop;
	(pc) =	sbr.ind lr, $3  }
0x3a: {  	_ = 	snop  }
0x3b: {  	_ = 	snop  }
0x3c: {  	p2 =	seq.s32 s10, $0x1;
	s10 =	sld [smem:$0x3FB7]  }
0x3d: {  	_ =	shalt  }
0x3e: {  	_ =	shalt  }
0x3f: {  	_ =	shalt  }
0x40: {  	_ =	shalt  }
0x41: {  	_ =	shalt  }
0x42: {  	_ =	shalt  }
0x43: {  	_ =	shalt  }
0x44: {  	_ =	shalt  }
0x45: {  	_ =	shalt  }
0x46: {  	_ =	shalt  }
0x47: {  	_ =	shalt  }
0x48: {  	_ =	shalt  }
0x49: {  	_ =	shalt  }
0x4a: {  	_ =	shalt  }
0x4b: {  	_ =	shalt  }
0x4c: {  	_ =	shalt  }
0x4d: {  	_ =	shalt  }
0x4e: {  	_ =	shalt  }
0x4f: {  	_ =	shalt  }
0x50: {  	_ =	shalt  }
0x51: {  	_ =	shalt  }
0x52: {  	_ =	shalt  }
0x53: {  	_ =	shalt  }
0x54: {  	_ =	shalt  }
0x55: {  	_ =	shalt  }
0x56: {  	_ =	shalt  }
0x57: {  	_ =	shalt  }
0x58: {  	_ =	shalt  }
0x59: {  	_ =	shalt  }
0x5a: {  	_ =	shalt  }
0x5b: {  	_ =	shalt  }
0x5c: {  	_ =	shalt  }
0x5d: {  	_ =	shalt  }
0x5e: {  	_ =	shalt  }
0x5f: {  	_ =	shalt  }
0x60: {  	_ =	shalt  }
0x61: {  	_ =	shalt  }
0x62: {  	_ =	shalt  }
0x63: {  	_ =	shalt  }
0x64: {  	_ =	shalt  }
0x65: {  	_ =	shalt  }
0x66: {  	_ =	shalt  }
0x67: {  	_ =	shalt  }
0x68: {  	_ =	shalt  }
0x69: {  	_ =	shalt  }
0x6a: {  	_ =	shalt  }
0x6b: {  	_ =	shalt  }
0x6c: {  	_ =	shalt  }
0x6d: {  	_ =	shalt  }
0x6e: {  	_ =	shalt  }
0x6f: {  	_ =	shalt  }
0x70: {  	_ =	shalt  }
0x71: {  	_ =	shalt  }
0x72: {  	_ =	shalt  }
0x73: {  	_ =	shalt  }
0x74: {  	_ =	shalt  }
0x75: {  	_ =	shalt  }
0x76: {  	_ =	shalt  }
0x77: {  	_ =	shalt  }
0x78: {  	_ =	shalt  }
0x79: {  	_ =	shalt  }
0x7a: {  	_ =	shalt  }
0x7b: {  	_ =	shalt  }
0x7c: {  	_ =	shalt  }
0x7d: {  	_ =	shalt  }
0x7e: {  	_ =	shalt  }
0x7f: {  	_ =	shalt  }
0x80: {  	_ =	shalt  }
0x81: {  	_ =	shalt  }
0x82: {  	_ =	shalt  }
0x83: {  	_ =	shalt  }
0x84: {  	_ =	shalt  }
0x85: {  	_ =	shalt  }
0x86: {  	_ =	shalt  }
0x87: {  	_ =	shalt  }
.Lfunc_end0:
.L_simem_size_0:
called_computation_lowered:
.L_overlay_start_0:
0x88: {  	s2 =	sld [smem:$0x3FD9]  }
0x89: {  	s3 =	sld [smem:$0x3FFE];
	_ =	sdelay $0x1  }
0x8a: {  	s1 =	srdreg.scid  }
0x8b: {  	s0 =	sand.u32 $0x1, s1  }
0x8c: {  	s15 =	sshll.u32 s0, $0xA;
	s2 =	sadd.s32 s3, s2  }
0x8d: {  	s2 =	sadd.s32 s2, s15  }
0x8e: {  	[smem:$0x3FC3] =	sst s2  }
0x8f: {  	_ = 	snop  }
0x90: {  	s2 =	sld [smem:$0x3FD0];
	_ =	sdelay $0x2  }
0x91: {  	s16 =	simm.s32 $0xA;
	s4 =	simm.s32 $0x10  }
0x92: {  	[smem:s4], [sflag:s16] =	dma.local [hbm:s2], $0x1  }
0x93: {  	_ =	swait.eq [sflag:s16], $0x1  }
0x94: {  	s17 =	sld [smem:$0x10];
	[sflag:s16] =	ssyncset.done $0x0  }
0x95: {  	s18 =	sld [smem:$0x11];
	[sflag:s16] =	ssyncadd.s32 $0xFFFFFFFF  }
0x96: {  	s19 =	sld [smem:$0x12];
	(tm) =	ssettm $0x1  }
0x97: {  	s5 =	sld [smem:$0x3FFB];
	_ =	sdelay $0x3  }
0x98: {  	_ =	strace s5  }
0x99: {  	s5 =	sld [smem:$0x3FFC];
	_ =	sdelay $0x3  }
0x9a: {  	_ =	strace s5  }
0x9b: {  	s5 =	sld [smem:$0x3FFD];
	_ =	sdelay $0x3  }
0x9c: {  	_ =	strace s5  }
0x9d: {  	_ =	strace $0x8FFFFFFF  }
0x9e: {  	s20 =	sld [smem:$0x3FDB];
	_ =	sdelay $0x1  }
0x9f: {  	s6 =	simm.s32 $_scs_section_size  }
0xa0: {  	s7 =	simm.s32 $_size__tile_overlayer_lowered;
	s8 =	simm.s32 $_tile_overlayer_lowered  }
0xa1: {  	s23 =	simm.s32 $0x1BFF;
	s22 =	sshll.u32 s8, $0x1;
	s5 =	sadd.s32 s6, s20  }
0xa2: {  	s9 =	simm.s32 $0x0;
	s21 =	sshll.u32 s7, $0x1;
	s7 =	sadd.s32 s22, s5  }
0xa3: {  	[timem:s9], [sflag:s23] =	dma.local [hbm:s7], s21  }
0xa4: {  	_ =	swait.ge [sflag:s23], s21  }
0xa5: {  	s6 =	ssub.s32 $0x0, s21;
	[sflag:s23] =	ssyncset.done $0x0  }
0xa6: {  	[sflag:s23] =	ssyncadd.s32 s6;
	_ =	sdelay $0x1  }
0xa7: {  	s24 =	simm.s32 $0x1B8B  }
0xa8: {  	_ =	swait.ge [sflag:s24], $0x1  }
0xa9: {  	[sflag:s24] =	ssyncset.done $0x0  }
0xaa: {  	s25 =	simm.s32 $0x1B8E;
	[sflag:s24] =	ssyncadd.s32 $0xFFFFFFFF  }
0xab: {  	s26 =	simm.s32 $execute0_lowered;
	[smem:$0x3FD2] =	sst s25  }
0xac: {  	s6 =	sshll.u32 s26, $0x1;
	_ =	strace $0x80000046;
	[dreg:$0x1] =	wrdreg $0xFFFFFFFF  }
0xad: {  	s28 =	simm.s32 $_size_execute0_lowered;
	s5 =	sadd.s32 s5, s6;
	[dreg:$0x0] =	wrdreg $0x0  }
0xae: {  	s6 =	sshll.u32 s28, $0x1;
	[dreg:$0x2] =	wrdreg s5  }
0xaf: {  	[dreg:$0x3] =	wrdreg s6  }
0xb0: {  	[dreg:$0x4] =	wrdreg $0xC0  }
0xb1: {  	_ =	task [dreg:s9], $0x5FFFF  }
0xb2: {  	[dreg:$0x1] =	wrdreg $0xFFFFFFFF  }
0xb3: {  	[dreg:$0x0] =	wrdreg $0x60  }
0xb4: {  	[dreg:$0x2] =	wrdreg s18  }
0xb5: {  	[dreg:$0x3] =	wrdreg s19  }
0xb6: {  	[dreg:$0x4] =	wrdreg s17  }
0xb7: {  	[dreg:$0x5] =	wrdreg $0x9  }
0xb8: {  	_ =	task.clear_ibuf [dreg:s9], $0x6FFFF;
	_ =	strace $0x90000046  }
0xb9: {  	s29 =	simm.s32 $0x9;
	_ =	strace $0x80000048  }
0xba: {  	_ =	swait.ge [sflag:s29], $0x1  }
0xbb: {  	[sflag:s29] =	ssyncadd.s32 $0xFFFFFFFF  }
0xbc: {  	_ =	strace $0x90000048  }
0xbd: {  	_ =	sfence  }
0xbe: {  	s30 =	sld [smem:$0x0];
	_ =	sdelay $0x2  }
0xbf: {  	s31 =	sshll.u32 s1, $0xD;
	s1 =	sshrl.u32 s1, $0x2  }
0xc0: {  	s3 =	sand.u32 $0x4000, s31;
	s1 =	sadd.s32 s1, s30  }
0xc1: {  	s0 =	sor.u32 s3, s0;
	s1 =	sshll.u32 s1, $0x11  }
0xc2: {  	s0 =	sor.u32 s1, s0  }
0xc3: {  	s0 =	sadd.s32 $0x8F2B, s0  }
0xc4: {  	[sflag:s0] =	ssyncadd.remote.s32 $0x1  }
0xc5: {  	_ =	sfence.sel $0xFFFF  }
0xc6: {  	[dreg:$0x0] =	wrdreg $0xFFFFFFFF;
	(pc) =	sbr.abs _section_cstart, $3  }
0xc7: {  	[dreg:$0x1] =	wrdreg $0xFFFFFFFF  }
0xc8: {  	_ =	task.clear_ibuf [dreg:s9], $0x2FFFF;
	_ =	strace $0x9FFFFFFF  }
0xc9: {  	(tm) =	ssettm $0x7FFFFFFF  }
tec
execute0_lowered:
.L_overlay_start_1:
0x0: {  	(tag) =	ssettag $0x1  }
0x1: {  	s1 =	rddreg [dreg:$0x0]  }
0x2: {  	s0 =	rddreg [dreg:$0x1];
	s2 =	srdreg.scid  }
0x3: {  	s3 =	stileid.u32;
	s4 =	rddreg [dreg:$0x2]  }
0x4: {  	s11 =	simm.s32 $0x100;
	s16 =	simm.s32 $0x2100;
	s17 =	simm.s32 $0x2500  }
0x5: {  	s18 =	simm.s32 $0x2D00;
	s19 =	simm.s32 $0x3100;
	s20 =	simm.s32 $0x3900  }
0x6: {  	s21 =	simm.s32 $0x3D00;
	s22 =	simm.s32 $0x4500;
	s23 =	simm.s32 $0x4900  }
0x7: {  	s24 =	simm.s32 $0x5100;
	s25 =	simm.s32 $0x5500;
	s28 =	simm.s32 $0x6100  }
0x8: {  	s29 =	simm.s32 $0x6900;
	s30 =	simm.s32 $0x6D00;
	s31 =	simm.s32 $0x7500  }
0x9: {  	s12 =	simm.s32 $0x8500;
	s13 =	simm.s32 $0x8D00;
	s14 =	simm.s32 $0x9100  }
0xa: {  	s15 =	simm.s32 $0x1;
	s2 =	sand.u32 $0x1, s2;
	s5 =	sshll.u32 s3, $0x1  }
0xb: {  	s3 =	simm.s32 $0x0;
	s8 =	sadd.s32 $0x48A80, s4;
	s10 =	sor.u32 s2, s5  }
0xc: {  	[smem:$0x7FF] =	sst s3;
	s2 =	ssub.s32 $0x2, s2;
	s5 =	smul.u32 $0x19, s10  }
0xd: {  	_ =	strace $0x80000047;
	s6 =	sshrl.u32 s2, $0x1;
	s7 =	smul.u32 $0x2580, s10  }
.Ltmp0:
0xe: {  	p0 =	seq.s32 s10, $0x1F;
	s10 =	simm.s32 $0x2;
	(pc) =	sbr.rel .LBB2_1-.Ltmp0, $4  }
0xf: {  	s2 =	ssub.s32 s2, s6;
	s5 =	sadd.s32 s0, s5;
	s26 =	sadd.s32 s4, s7  }
0x10: {  	v2 =	vlaneseq.u32;
	s7 =	sadd.s32 $0x307, s0;
	s9 =	smax.u32 s2, $0x1;
	s2 =	simm.s32 $0x7900  }
0x11: {  	vm0 =	vmmov $0xffff;
	vm1 =	vmmov $0xff;
	v1 =	vshrl.u32 v2, $0x3;
	s0 =	simm.s32 $0x8100;
	s4 =	simm.s32 $0x9900;
	[dreg:$0x4] =	wrdreg s5  }
0x12: {  	v0 =	vand.u32 $0x7, v2;
	v2 =	vor.u32 $0x8, v2;
	v1 =	vmul.u32 $0x8, v1;
	s5 =	sadd.s32 $0x100, s1;
	[dreg:$0x5] =	wrdreg s26;
	s26 =	simm.s32 $0x5D00  }
.LBB2_3:
0x13: {  	[tilespmem:s3], [sflag:$0x2] =	stream.linear.gather [hbm4b:s7+s3], $0x68, $0x38;
	[tilespmem:$0x12D00] =	vst v63  }
0x14: {  	_ =	swait.ge [sflag:s10], $0x68  }
0x15: {  	[sflag:s10] =	ssyncset.done $0x0  }
0x16: {  	[sflag:s10] =	ssyncadd.s32 $0xFFFFFF98  }
0x17: {  	v3 =	vld [tilespmem:$0x0];
	_ =	sdelay $0x4  }
0x18: {  	v4 =	vshrl.u32 v3, $0x3  }
0x19: {  	v4 =	vmul.u32 $0x18, v4  }
0x1a: {  	v3 =	vand.u32 $0x7, v3  }
0x1b: {  	v3 =	vor.u32 v3, v4  }
0x1c: {  	v4 =	vperm.xlane v3, v0;
	_ =	sdelay $0x1  }
0x1d: {  	v4 =	vadd.s32 v1, v4;
	_ =	sdelay $0x1  }
0x1e: {  	v3 =	vperm.xlane v3, v2;
	_ =	sdelay $0x1  }
0x1f: {  	v3 =	vadd.s32 v1, v3  }
0x20: {  	[tilespmem:s11], [sflag:$0x1] =	stream.indirect_vreg.gather [hbm4b:s1+s3], $0x80, v4, vm0, $0xb8;
	[tilespmem:$0x12D00] =	vst v63  }
0x21: {  	s6 =	simm.s32 $0x900  }
0x22: {  	[tilespmem:s6], [sflag:$0x1] =	stream.indirect_vreg.gather [hbm4b:s5+s3], $0x80, v4, vm1, $0xb8;
	[tilespmem:$0x12D00] =	vst v63  }
0x23: {  	s6 =	simm.s32 $0xD00  }
0x24: {  	[tilespmem:s6], [sflag:$0x1] =	stream.indirect_vreg.gather [hbm4b:s1+s3], $0x80, v3, vm0, $0xb8;
	[tilespmem:$0x12D00] =	vst v63  }
0x25: {  	s6 =	simm.s32 $0x1500  }
0x26: {  	[tilespmem:s6], [sflag:$0x1] =	stream.indirect_vreg.gather [hbm4b:s5+s3], $0x80, v3, vm1, $0xb8;
	[tilespmem:$0x12D00] =	vst v63  }
0x27: {  	v3 =	vld [tilespmem:$0x10];
	_ =	sdelay $0x4  }
0x28: {  	v58 =	vshrl.u32 v3, $0x3  }
0x29: {  	v4 =	vmul.u32 $0x18, v58  }
0x2a: {  	v3 =	vand.u32 $0x7, v3  }
0x2b: {  	v3 =	vor.u32 v3, v4  }
0x2c: {  	v4 =	vperm.xlane v3, v0;
	_ =	sdelay $0x1  }
0x2d: {  	v4 =	vadd.s32 v1, v4;
	_ =	sdelay $0x1  }
0x2e: {  	v3 =	vperm.xlane v3, v2;
	_ =	sdelay $0x1  }
0x2f: {  	s6 =	simm.s32 $0x1900;
	v3 =	vadd.s32 v1, v3  }
0x30: {  	[tilespmem:s6], [sflag:$0x1] =	stream.indirect_vreg.gather [hbm4b:s1+s3], $0x80, v4, vm0, $0xb8;
	[tilespmem:$0x12D00] =	vst v63  }
0x31: {  	_ = 	snop  }
0x32: {  	[tilespmem:s16], [sflag:$0x1] =	stream.indirect_vreg.gather [hbm4b:s5+s3], $0x80, v4, vm1, $0xb8;
	[tilespmem:$0x12D00] =	vst v63  }
0x33: {  	_ = 	snop  }
0x34: {  	[tilespmem:s17], [sflag:$0x1] =	stream.indirect_vreg.gather [hbm4b:s1+s3], $0x80, v3, vm0, $0xb8;
	[tilespmem:$0x12D00] =	vst v63  }
0x35: {  	_ = 	snop  }
0x36: {  	[tilespmem:s18], [sflag:$0x1] =	stream.indirect_vreg.gather [hbm4b:s5+s3], $0x80, v3, vm1, $0xb8;
	[tilespmem:$0x12D00] =	vst v63  }
0x37: {  	v3 =	vld [tilespmem:$0x20];
	_ =	sdelay $0x4  }
0x38: {  	v59 =	vshrl.u32 v3, $0x3  }
0x39: {  	v4 =	vmul.u32 $0x18, v59  }
0x3a: {  	v3 =	vand.u32 $0x7, v3  }
0x3b: {  	v3 =	vor.u32 v3, v4  }
0x3c: {  	v4 =	vperm.xlane v3, v0;
	_ =	sdelay $0x1  }
0x3d: {  	v4 =	vadd.s32 v1, v4;
	_ =	sdelay $0x1  }
0x3e: {  	v3 =	vperm.xlane v3, v2;
	_ =	sdelay $0x1  }
0x3f: {  	v3 =	vadd.s32 v1, v3  }
0x40: {  	[tilespmem:s19], [sflag:$0x1] =	stream.indirect_vreg.gather [hbm4b:s1+s3], $0x80, v4, vm0, $0xb8;
	[tilespmem:$0x12D00] =	vst v63  }
0x41: {  	_ = 	snop  }
0x42: {  	[tilespmem:s20], [sflag:$0x1] =	stream.indirect_vreg.gather [hbm4b:s5+s3], $0x80, v4, vm1, $0xb8;
	[tilespmem:$0x12D00] =	vst v63  }
0x43: {  	_ = 	snop  }
0x44: {  	[tilespmem:s21], [sflag:$0x1] =	stream.indirect_vreg.gather [hbm4b:s1+s3], $0x80, v3, vm0, $0xb8;
	[tilespmem:$0x12D00] =	vst v63  }
0x45: {  	_ = 	snop  }
0x46: {  	[tilespmem:s22], [sflag:$0x1] =	stream.indirect_vreg.gather [hbm4b:s5+s3], $0x80, v3, vm1, $0xb8;
	[tilespmem:$0x12D00] =	vst v63  }
0x47: {  	v3 =	vld [tilespmem:$0x30];
	_ =	sdelay $0x4  }
0x48: {  	v60 =	vshrl.u32 v3, $0x3  }
0x49: {  	v4 =	vmul.u32 $0x18, v60  }
0x4a: {  	v3 =	vand.u32 $0x7, v3  }
0x4b: {  	v3 =	vor.u32 v3, v4  }
0x4c: {  	v4 =	vperm.xlane v3, v0;
	_ =	sdelay $0x1  }
0x4d: {  	v4 =	vadd.s32 v1, v4;
	_ =	sdelay $0x1  }
0x4e: {  	v3 =	vperm.xlane v3, v2;
	_ =	sdelay $0x1  }
0x4f: {  	v3 =	vadd.s32 v1, v3  }
0x50: {  	[tilespmem:s23], [sflag:$0x1] =	stream.indirect_vreg.gather [hbm4b:s1+s3], $0x80, v4, vm0, $0xb8;
	[tilespmem:$0x12D00] =	vst v63  }
0x51: {  	_ = 	snop  }
0x52: {  	[tilespmem:s24], [sflag:$0x1] =	stream.indirect_vreg.gather [hbm4b:s5+s3], $0x80, v4, vm1, $0xb8;
	[tilespmem:$0x12D00] =	vst v63  }
0x53: {  	_ = 	snop  }
0x54: {  	[tilespmem:s25], [sflag:$0x1] =	stream.indirect_vreg.gather [hbm4b:s1+s3], $0x80, v3, vm0, $0xb8;
	[tilespmem:$0x12D00] =	vst v63  }
0x55: {  	_ = 	snop  }
0x56: {  	[tilespmem:s26], [sflag:$0x1] =	stream.indirect_vreg.gather [hbm4b:s5+s3], $0x80, v3, vm1, $0xb8;
	[tilespmem:$0x12D00] =	vst v63  }
0x57: {  	v3 =	vld [tilespmem:$0x40];
	_ =	sdelay $0x4  }
0x58: {  	v61 =	vshrl.u32 v3, $0x3  }
0x59: {  	v4 =	vmul.u32 $0x18, v61  }
0x5a: {  	v3 =	vand.u32 $0x7, v3  }
0x5b: {  	v3 =	vor.u32 v3, v4  }
0x5c: {  	v4 =	vperm.xlane v3, v0;
	_ =	sdelay $0x1  }
0x5d: {  	v4 =	vadd.s32 v1, v4;
	_ =	sdelay $0x1  }
0x5e: {  	v3 =	vperm.xlane v3, v2;
	_ =	sdelay $0x1  }
0x5f: {  	v3 =	vadd.s32 v1, v3  }
0x60: {  	[tilespmem:s28], [sflag:$0x1] =	stream.indirect_vreg.gather [hbm4b:s1+s3], $0x80, v4, vm0, $0xb8;
	[tilespmem:$0x12D00] =	vst v63  }
0x61: {  	_ = 	snop  }
0x62: {  	[tilespmem:s29], [sflag:$0x1] =	stream.indirect_vreg.gather [hbm4b:s5+s3], $0x80, v4, vm1, $0xb8;
	[tilespmem:$0x12D00] =	vst v63  }
0x63: {  	_ = 	snop  }
0x64: {  	[tilespmem:s30], [sflag:$0x1] =	stream.indirect_vreg.gather [hbm4b:s1+s3], $0x80, v3, vm0, $0xb8;
	[tilespmem:$0x12D00] =	vst v63  }
0x65: {  	_ = 	snop  }
0x66: {  	[tilespmem:s31], [sflag:$0x1] =	stream.indirect_vreg.gather [hbm4b:s5+s3], $0x80, v3, vm1, $0xb8;
	[tilespmem:$0x12D00] =	vst v63  }
0x67: {  	v3 =	vld [tilespmem:$0x50];
	_ =	sdelay $0x4  }
0x68: {  	v62 =	vshrl.u32 v3, $0x3  }
0x69: {  	v4 =	vmul.u32 $0x18, v62  }
0x6a: {  	v3 =	vand.u32 $0x7, v3  }
0x6b: {  	v3 =	vor.u32 v3, v4  }
0x6c: {  	v4 =	vperm.xlane v3, v0;
	_ =	sdelay $0x1  }
0x6d: {  	v4 =	vadd.s32 v1, v4;
	_ =	sdelay $0x1  }
0x6e: {  	v3 =	vperm.xlane v3, v2;
	_ =	sdelay $0x1  }
0x6f: {  	v3 =	vadd.s32 v1, v3  }
0x70: {  	[tilespmem:s2], [sflag:$0x1] =	stream.indirect_vreg.gather [hbm4b:s1+s3], $0x80, v4, vm0, $0xb8;
	[tilespmem:$0x12D00] =	vst v63  }
0x71: {  	_ = 	snop  }
0x72: {  	[tilespmem:s0], [sflag:$0x1] =	stream.indirect_vreg.gather [hbm4b:s5+s3], $0x80, v4, vm1, $0xb8;
	[tilespmem:$0x12D00] =	vst v63  }
0x73: {  	_ = 	snop  }
0x74: {  	[tilespmem:s12], [sflag:$0x1] =	stream.indirect_vreg.gather [hbm4b:s1+s3], $0x80, v3, vm0, $0xb8;
	[tilespmem:$0x12D00] =	vst v63  }
0x75: {  	_ = 	snop  }
0x76: {  	[tilespmem:s13], [sflag:$0x1] =	stream.indirect_vreg.gather [hbm4b:s5+s3], $0x80, v3, vm1, $0xb8;
	[tilespmem:$0x12D00] =	vst v63  }
0x77: {  	v3 =	vld.msk [tilespmem:$0x60], $0xff;
	_ =	sdelay $0x4  }
0x78: {  	v63 =	vshrl.u32 v3, $0x3  }
0x79: {  	v4 =	vmul.u32 $0x18, v63  }
0x7a: {  	v3 =	vand.u32 $0x7, v3  }
0x7b: {  	v3 =	vor.u32 v3, v4  }
0x7c: {  	v3 =	vperm.xlane v3, v0;
	_ =	sdelay $0x1  }
0x7d: {  	v3 =	vadd.s32 v1, v3;
	_ =	sdelay $0x4  }
0x7e: {  	[tilespmem:s14], [sflag:$0x1] =	stream.indirect_vreg.gather [hbm4b:s1+s3], $0x80, v3, vm0, $0xb8;
	[tilespmem:$0x12D00] =	vst v63  }
0x7f: {  	_ = 	snop  }
0x80: {  	[tilespmem:s4], [sflag:$0x1] =	stream.indirect_vreg.gather [hbm4b:s5+s3], $0x80, v3, vm1, $0xb8;
	[tilespmem:$0x12D00] =	vst v63  }
0x81: {  	_ =	swait.ge [sflag:s15], $0x9C00  }
0x82: {  	[sflag:s15] =	ssyncset.done $0x0  }
0x83: {  	[sflag:s15] =	ssyncadd.s32 $0xFFFF6400  }
0x84: {  	[hbm4b:s8+s3] =	stream.linear.scatter [tilespmem:s11], [sflag:$0x2], $0x9C00, $0x38;
	[tilespmem:$0x12D00] =	vst v63  }
0x85: {  	_ =	swait.ge [sflag:s10], $0x9C00  }
0x86: {  	[sflag:s10] =	ssyncset.done $0x0  }
0x87: {  	[sflag:s10] =	ssyncadd.s32 $0xFFFF6400  }
.LBB2_4:
0x88: {  	s9 =	sadd.s32 $0xFFFFFFFF, s9  }
0x89: {  	p1 =	sne.s32 s9, $0x0  }
.Ltmp1:
0x8a: {  	_ = 	snop;
	(pc) =	sbr.rel @!p1 .LBB2_5-.Ltmp1, $1  }
0x8b: {  	_ =	sdelay $0x3  }
.LBB2_1:
.Ltmp2:
0x8c: {  	(pc) =	sbr.rel @p0 .LBB2_3-.Ltmp2, $1  }
0x8d: {  	_ =	sdelay $0x3  }
0x8e: {  	s6 =	rddreg [dreg:$0x4]  }
0x8f: {  	[tilespmem:s3], [sflag:$0x2] =	stream.linear.gather [hbm4b:s6+s3], $0xC8, $0x38;
	[tilespmem:$0x12D00] =	vst v63  }
0x90: {  	_ =	swait.ge [sflag:s10], $0xC8  }
0x91: {  	[sflag:s10] =	ssyncset.done $0x0  }
0x92: {  	[sflag:s10] =	ssyncadd.s32 $0xFFFFFF38  }
0x93: {  	v3 =	vld [tilespmem:$0x0];
	_ =	sdelay $0x4  }
0x94: {  	v4 =	vshrl.u32 v3, $0x3  }
0x95: {  	v4 =	vmul.u32 $0x18, v4  }
0x96: {  	v3 =	vand.u32 $0x7, v3  }
0x97: {  	v3 =	vor.u32 v3, v4  }
0x98: {  	v4 =	vperm.xlane v3, v0;
	_ =	sdelay $0x1  }
0x99: {  	v4 =	vadd.s32 v1, v4;
	_ =	sdelay $0x1  }
0x9a: {  	v3 =	vperm.xlane v3, v2;
	_ =	sdelay $0x1  }
0x9b: {  	v3 =	vadd.s32 v1, v3  }
0x9c: {  	[tilespmem:s11], [sflag:$0x1] =	stream.indirect_vreg.gather [hbm4b:s1+s3], $0x80, v4, vm0, $0xb8;
	[tilespmem:$0x12D00] =	vst v63  }
0x9d: {  	s6 =	simm.s32 $0x900  }
0x9e: {  	[tilespmem:s6], [sflag:$0x1] =	stream.indirect_vreg.gather [hbm4b:s5+s3], $0x80, v4, vm1, $0xb8;
	[tilespmem:$0x12D00] =	vst v63  }
0x9f: {  	s6 =	simm.s32 $0xD00  }
0xa0: {  	[tilespmem:s6], [sflag:$0x1] =	stream.indirect_vreg.gather [hbm4b:s1+s3], $0x80, v3, vm0, $0xb8;
	[tilespmem:$0x12D00] =	vst v63  }
0xa1: {  	s6 =	simm.s32 $0x1500  }
0xa2: {  	[tilespmem:s6], [sflag:$0x1] =	stream.indirect_vreg.gather [hbm4b:s5+s3], $0x80, v3, vm1, $0xb8;
	[tilespmem:$0x12D00] =	vst v63  }
0xa3: {  	v3 =	vld [tilespmem:$0x10];
	_ =	sdelay $0x4  }
0xa4: {  	v52 =	vshrl.u32 v3, $0x3  }
0xa5: {  	v4 =	vmul.u32 $0x18, v52  }
0xa6: {  	v3 =	vand.u32 $0x7, v3  }
0xa7: {  	v3 =	vor.u32 v3, v4  }
0xa8: {  	v4 =	vperm.xlane v3, v0;
	_ =	sdelay $0x1  }
0xa9: {  	v4 =	vadd.s32 v1, v4;
	_ =	sdelay $0x1  }
0xaa: {  	v3 =	vperm.xlane v3, v2;
	_ =	sdelay $0x1  }
0xab: {  	s6 =	simm.s32 $0x1900;
	v3 =	vadd.s32 v1, v3  }
0xac: {  	[tilespmem:s6], [sflag:$0x1] =	stream.indirect_vreg.gather [hbm4b:s1+s3], $0x80, v4, vm0, $0xb8;
	[tilespmem:$0x12D00] =	vst v63  }
0xad: {  	_ = 	snop  }
0xae: {  	[tilespmem:s16], [sflag:$0x1] =	stream.indirect_vreg.gather [hbm4b:s5+s3], $0x80, v4, vm1, $0xb8;
	[tilespmem:$0x12D00] =	vst v63  }
0xaf: {  	_ = 	snop  }
0xb0: {  	[tilespmem:s17], [sflag:$0x1] =	stream.indirect_vreg.gather [hbm4b:s1+s3], $0x80, v3, vm0, $0xb8;
	[tilespmem:$0x12D00] =	vst v63  }
0xb1: {  	_ = 	snop  }
0xb2: {  	[tilespmem:s18], [sflag:$0x1] =	stream.indirect_vreg.gather [hbm4b:s5+s3], $0x80, v3, vm1, $0xb8;
	[tilespmem:$0x12D00] =	vst v63  }
0xb3: {  	v3 =	vld [tilespmem:$0x20];
	_ =	sdelay $0x4  }
0xb4: {  	v53 =	vshrl.u32 v3, $0x3  }
0xb5: {  	v4 =	vmul.u32 $0x18, v53  }
0xb6: {  	v3 =	vand.u32 $0x7, v3  }
0xb7: {  	v3 =	vor.u32 v3, v4  }
0xb8: {  	v4 =	vperm.xlane v3, v0;
	_ =	sdelay $0x1  }
0xb9: {  	v4 =	vadd.s32 v1, v4;
	_ =	sdelay $0x1  }
0xba: {  	v3 =	vperm.xlane v3, v2;
	_ =	sdelay $0x1  }
0xbb: {  	v3 =	vadd.s32 v1, v3  }
0xbc: {  	[tilespmem:s19], [sflag:$0x1] =	stream.indirect_vreg.gather [hbm4b:s1+s3], $0x80, v4, vm0, $0xb8;
	[tilespmem:$0x12D00] =	vst v63  }
0xbd: {  	_ = 	snop  }
0xbe: {  	[tilespmem:s20], [sflag:$0x1] =	stream.indirect_vreg.gather [hbm4b:s5+s3], $0x80, v4, vm1, $0xb8;
	[tilespmem:$0x12D00] =	vst v63  }
0xbf: {  	_ = 	snop  }
0xc0: {  	[tilespmem:s21], [sflag:$0x1] =	stream.indirect_vreg.gather [hbm4b:s1+s3], $0x80, v3, vm0, $0xb8;
	[tilespmem:$0x12D00] =	vst v63  }
0xc1: {  	_ = 	snop  }
0xc2: {  	[tilespmem:s22], [sflag:$0x1] =	stream.indirect_vreg.gather [hbm4b:s5+s3], $0x80, v3, vm1, $0xb8;
	[tilespmem:$0x12D00] =	vst v63  }
0xc3: {  	v3 =	vld [tilespmem:$0x30];
	_ =	sdelay $0x4  }
0xc4: {  	v54 =	vshrl.u32 v3, $0x3  }
0xc5: {  	v4 =	vmul.u32 $0x18, v54  }
0xc6: {  	v3 =	vand.u32 $0x7, v3  }
0xc7: {  	v3 =	vor.u32 v3, v4  }
0xc8: {  	v4 =	vperm.xlane v3, v0;
	_ =	sdelay $0x1  }
0xc9: {  	v4 =	vadd.s32 v1, v4;
	_ =	sdelay $0x1  }
0xca: {  	v3 =	vperm.xlane v3, v2;
	_ =	sdelay $0x1  }
0xcb: {  	v3 =	vadd.s32 v1, v3  }
0xcc: {  	[tilespmem:s23], [sflag:$0x1] =	stream.indirect_vreg.gather [hbm4b:s1+s3], $0x80, v4, vm0, $0xb8;
	[tilespmem:$0x12D00] =	vst v63  }
0xcd: {  	_ = 	snop  }
0xce: {  	[tilespmem:s24], [sflag:$0x1] =	stream.indirect_vreg.gather [hbm4b:s5+s3], $0x80, v4, vm1, $0xb8;
	[tilespmem:$0x12D00] =	vst v63  }
0xcf: {  	_ = 	snop  }
0xd0: {  	[tilespmem:s25], [sflag:$0x1] =	stream.indirect_vreg.gather [hbm4b:s1+s3], $0x80, v3, vm0, $0xb8;
	[tilespmem:$0x12D00] =	vst v63  }
0xd1: {  	_ = 	snop  }
0xd2: {  	[tilespmem:s26], [sflag:$0x1] =	stream.indirect_vreg.gather [hbm4b:s5+s3], $0x80, v3, vm1, $0xb8;
	[tilespmem:$0x12D00] =	vst v63  }
0xd3: {  	v3 =	vld [tilespmem:$0x40];
	_ =	sdelay $0x4  }
0xd4: {  	v55 =	vshrl.u32 v3, $0x3  }
0xd5: {  	v4 =	vmul.u32 $0x18, v55  }
0xd6: {  	v3 =	vand.u32 $0x7, v3  }
0xd7: {  	v3 =	vor.u32 v3, v4  }
0xd8: {  	v4 =	vperm.xlane v3, v0;
	_ =	sdelay $0x1  }
0xd9: {  	v4 =	vadd.s32 v1, v4;
	_ =	sdelay $0x1  }
0xda: {  	v3 =	vperm.xlane v3, v2;
	_ =	sdelay $0x1  }
0xdb: {  	v3 =	vadd.s32 v1, v3  }
0xdc: {  	[tilespmem:s28], [sflag:$0x1] =	stream.indirect_vreg.gather [hbm4b:s1+s3], $0x80, v4, vm0, $0xb8;
	[tilespmem:$0x12D00] =	vst v63  }
0xdd: {  	_ = 	snop  }
0xde: {  	[tilespmem:s29], [sflag:$0x1] =	stream.indirect_vreg.gather [hbm4b:s5+s3], $0x80, v4, vm1, $0xb8;
	[tilespmem:$0x12D00] =	vst v63  }
0xdf: {  	_ = 	snop  }
0xe0: {  	[tilespmem:s30], [sflag:$0x1] =	stream.indirect_vreg.gather [hbm4b:s1+s3], $0x80, v3, vm0, $0xb8;
	[tilespmem:$0x12D00] =	vst v63  }
0xe1: {  	_ = 	snop  }
0xe2: {  	[tilespmem:s31], [sflag:$0x1] =	stream.indirect_vreg.gather [hbm4b:s5+s3], $0x80, v3, vm1, $0xb8;
	[tilespmem:$0x12D00] =	vst v63  }
0xe3: {  	v3 =	vld [tilespmem:$0x50];
	_ =	sdelay $0x4  }
0xe4: {  	v56 =	vshrl.u32 v3, $0x3  }
0xe5: {  	v4 =	vmul.u32 $0x18, v56  }
0xe6: {  	v3 =	vand.u32 $0x7, v3  }
0xe7: {  	v3 =	vor.u32 v3, v4  }
0xe8: {  	v4 =	vperm.xlane v3, v0;
	_ =	sdelay $0x1  }
0xe9: {  	v4 =	vadd.s32 v1, v4;
	_ =	sdelay $0x1  }
0xea: {  	v3 =	vperm.xlane v3, v2;
	_ =	sdelay $0x1  }
0xeb: {  	v3 =	vadd.s32 v1, v3  }
0xec: {  	[tilespmem:s2], [sflag:$0x1] =	stream.indirect_vreg.gather [hbm4b:s1+s3], $0x80, v4, vm0, $0xb8;
	[tilespmem:$0x12D00] =	vst v63  }
0xed: {  	_ = 	snop  }
0xee: {  	[tilespmem:s0], [sflag:$0x1] =	stream.indirect_vreg.gather [hbm4b:s5+s3], $0x80, v4, vm1, $0xb8;
	[tilespmem:$0x12D00] =	vst v63  }
0xef: {  	_ = 	snop  }
0xf0: {  	[tilespmem:s12], [sflag:$0x1] =	stream.indirect_vreg.gather [hbm4b:s1+s3], $0x80, v3, vm0, $0xb8;
	[tilespmem:$0x12D00] =	vst v63  }
0xf1: {  	_ = 	snop  }
0xf2: {  	[tilespmem:s13], [sflag:$0x1] =	stream.indirect_vreg.gather [hbm4b:s5+s3], $0x80, v3, vm1, $0xb8;
	[tilespmem:$0x12D00] =	vst v63  }
0xf3: {  	v3 =	vld [tilespmem:$0x60];
	_ =	sdelay $0x4  }
0xf4: {  	v57 =	vshrl.u32 v3, $0x3  }
0xf5: {  	v4 =	vmul.u32 $0x18, v57  }
0xf6: {  	v3 =	vand.u32 $0x7, v3  }
0xf7: {  	v3 =	vor.u32 v3, v4  }
0xf8: {  	v4 =	vperm.xlane v3, v0;
	_ =	sdelay $0x1  }
0xf9: {  	v4 =	vadd.s32 v1, v4;
	_ =	sdelay $0x1  }
0xfa: {  	v3 =	vperm.xlane v3, v2;
	_ =	sdelay $0x1  }
0xfb: {  	v3 =	vadd.s32 v1, v3  }
0xfc: {  	[tilespmem:s14], [sflag:$0x1] =	stream.indirect_vreg.gather [hbm4b:s1+s3], $0x80, v4, vm0, $0xb8;
	[tilespmem:$0x12D00] =	vst v63  }
0xfd: {  	_ = 	snop  }
0xfe: {  	[tilespmem:s4], [sflag:$0x1] =	stream.indirect_vreg.gather [hbm4b:s5+s3], $0x80, v4, vm1, $0xb8;
	[tilespmem:$0x12D00] =	vst v63  }
0xff: {  	s6 =	simm.s32 $0x9D00  }
0x100: {  	[tilespmem:s6], [sflag:$0x1] =	stream.indirect_vreg.gather [hbm4b:s1+s3], $0x80, v3, vm0, $0xb8;
	[tilespmem:$0x12D00] =	vst v63  }
0x101: {  	s6 =	simm.s32 $0xA500  }
0x102: {  	[tilespmem:s6], [sflag:$0x1] =	stream.indirect_vreg.gather [hbm4b:s5+s3], $0x80, v3, vm1, $0xb8;
	[tilespmem:$0x12D00] =	vst v63  }
0x103: {  	v3 =	vld [tilespmem:$0x70];
	_ =	sdelay $0x4  }
0x104: {  	v58 =	vshrl.u32 v3, $0x3  }
0x105: {  	v4 =	vmul.u32 $0x18, v58  }
0x106: {  	v3 =	vand.u32 $0x7, v3  }
0x107: {  	v3 =	vor.u32 v3, v4  }
0x108: {  	v4 =	vperm.xlane v3, v0;
	_ =	sdelay $0x1  }
0x109: {  	v4 =	vadd.s32 v1, v4;
	_ =	sdelay $0x1  }
0x10a: {  	v3 =	vperm.xlane v3, v2;
	_ =	sdelay $0x1  }
0x10b: {  	s6 =	simm.s32 $0xA900;
	v3 =	vadd.s32 v1, v3  }
0x10c: {  	[tilespmem:s6], [sflag:$0x1] =	stream.indirect_vreg.gather [hbm4b:s1+s3], $0x80, v4, vm0, $0xb8;
	[tilespmem:$0x12D00] =	vst v63  }
0x10d: {  	s6 =	simm.s32 $0xB100  }
0x10e: {  	[tilespmem:s6], [sflag:$0x1] =	stream.indirect_vreg.gather [hbm4b:s5+s3], $0x80, v4, vm1, $0xb8;
	[tilespmem:$0x12D00] =	vst v63  }
0x10f: {  	s6 =	simm.s32 $0xB500  }
0x110: {  	[tilespmem:s6], [sflag:$0x1] =	stream.indirect_vreg.gather [hbm4b:s1+s3], $0x80, v3, vm0, $0xb8;
	[tilespmem:$0x12D00] =	vst v63  }
0x111: {  	s6 =	simm.s32 $0xBD00  }
0x112: {  	[tilespmem:s6], [sflag:$0x1] =	stream.indirect_vreg.gather [hbm4b:s5+s3], $0x80, v3, vm1, $0xb8;
	[tilespmem:$0x12D00] =	vst v63  }
0x113: {  	v3 =	vld [tilespmem:$0x80];
	_ =	sdelay $0x4  }
0x114: {  	v59 =	vshrl.u32 v3, $0x3  }
0x115: {  	v4 =	vmul.u32 $0x18, v59  }
0x116: {  	v3 =	vand.u32 $0x7, v3  }
0x117: {  	v3 =	vor.u32 v3, v4  }
0x118: {  	v4 =	vperm.xlane v3, v0;
	_ =	sdelay $0x1  }
0x119: {  	v4 =	vadd.s32 v1, v4;
	_ =	sdelay $0x1  }
0x11a: {  	v3 =	vperm.xlane v3, v2;
	_ =	sdelay $0x1  }
0x11b: {  	s6 =	simm.s32 $0xC100;
	v3 =	vadd.s32 v1, v3  }
0x11c: {  	[tilespmem:s6], [sflag:$0x1] =	stream.indirect_vreg.gather [hbm4b:s1+s3], $0x80, v4, vm0, $0xb8;
	[tilespmem:$0x12D00] =	vst v63  }
0x11d: {  	s6 =	simm.s32 $0xC900  }
0x11e: {  	[tilespmem:s6], [sflag:$0x1] =	stream.indirect_vreg.gather [hbm4b:s5+s3], $0x80, v4, vm1, $0xb8;
	[tilespmem:$0x12D00] =	vst v63  }
0x11f: {  	s6 =	simm.s32 $0xCD00  }
0x120: {  	[tilespmem:s6], [sflag:$0x1] =	stream.indirect_vreg.gather [hbm4b:s1+s3], $0x80, v3, vm0, $0xb8;
	[tilespmem:$0x12D00] =	vst v63  }
0x121: {  	s6 =	simm.s32 $0xD500  }
0x122: {  	[tilespmem:s6], [sflag:$0x1] =	stream.indirect_vreg.gather [hbm4b:s5+s3], $0x80, v3, vm1, $0xb8;
	[tilespmem:$0x12D00] =	vst v63  }
0x123: {  	v3 =	vld [tilespmem:$0x90];
	_ =	sdelay $0x4  }
0x124: {  	v60 =	vshrl.u32 v3, $0x3  }
0x125: {  	v4 =	vmul.u32 $0x18, v60  }
0x126: {  	v3 =	vand.u32 $0x7, v3  }
0x127: {  	v3 =	vor.u32 v3, v4  }
0x128: {  	v4 =	vperm.xlane v3, v0;
	_ =	sdelay $0x1  }
0x129: {  	v4 =	vadd.s32 v1, v4;
	_ =	sdelay $0x1  }
0x12a: {  	v3 =	vperm.xlane v3, v2;
	_ =	sdelay $0x1  }
0x12b: {  	s6 =	simm.s32 $0xD900;
	v3 =	vadd.s32 v1, v3  }
0x12c: {  	[tilespmem:s6], [sflag:$0x1] =	stream.indirect_vreg.gather [hbm4b:s1+s3], $0x80, v4, vm0, $0xb8;
	[tilespmem:$0x12D00] =	vst v63  }
0x12d: {  	s6 =	simm.s32 $0xE100  }
0x12e: {  	[tilespmem:s6], [sflag:$0x1] =	stream.indirect_vreg.gather [hbm4b:s5+s3], $0x80, v4, vm1, $0xb8;
	[tilespmem:$0x12D00] =	vst v63  }
0x12f: {  	s6 =	simm.s32 $0xE500  }
0x130: {  	[tilespmem:s6], [sflag:$0x1] =	stream.indirect_vreg.gather [hbm4b:s1+s3], $0x80, v3, vm0, $0xb8;
	[tilespmem:$0x12D00] =	vst v63  }
0x131: {  	s6 =	simm.s32 $0xED00  }
0x132: {  	[tilespmem:s6], [sflag:$0x1] =	stream.indirect_vreg.gather [hbm4b:s5+s3], $0x80, v3, vm1, $0xb8;
	[tilespmem:$0x12D00] =	vst v63  }
0x133: {  	v3 =	vld [tilespmem:$0xA0];
	_ =	sdelay $0x4  }
0x134: {  	v61 =	vshrl.u32 v3, $0x3  }
0x135: {  	v4 =	vmul.u32 $0x18, v61  }
0x136: {  	v3 =	vand.u32 $0x7, v3  }
0x137: {  	v3 =	vor.u32 v3, v4  }
0x138: {  	v4 =	vperm.xlane v3, v0;
	_ =	sdelay $0x1  }
0x139: {  	v4 =	vadd.s32 v1, v4;
	_ =	sdelay $0x1  }
0x13a: {  	v3 =	vperm.xlane v3, v2;
	_ =	sdelay $0x1  }
0x13b: {  	s6 =	simm.s32 $0xF100;
	v3 =	vadd.s32 v1, v3  }
0x13c: {  	[tilespmem:s6], [sflag:$0x1] =	stream.indirect_vreg.gather [hbm4b:s1+s3], $0x80, v4, vm0, $0xb8;
	[tilespmem:$0x12D00] =	vst v63  }
0x13d: {  	s6 =	simm.s32 $0xF900  }
0x13e: {  	[tilespmem:s6], [sflag:$0x1] =	stream.indirect_vreg.gather [hbm4b:s5+s3], $0x80, v4, vm1, $0xb8;
	[tilespmem:$0x12D00] =	vst v63  }
0x13f: {  	s6 =	simm.s32 $0xFD00  }
0x140: {  	[tilespmem:s6], [sflag:$0x1] =	stream.indirect_vreg.gather [hbm4b:s1+s3], $0x80, v3, vm0, $0xb8;
	[tilespmem:$0x12D00] =	vst v63  }
0x141: {  	s6 =	simm.s32 $0x10500  }
0x142: {  	[tilespmem:s6], [sflag:$0x1] =	stream.indirect_vreg.gather [hbm4b:s5+s3], $0x80, v3, vm1, $0xb8;
	[tilespmem:$0x12D00] =	vst v63  }
0x143: {  	v3 =	vld [tilespmem:$0xB0];
	_ =	sdelay $0x4  }
0x144: {  	v62 =	vshrl.u32 v3, $0x3  }
0x145: {  	v4 =	vmul.u32 $0x18, v62  }
0x146: {  	v3 =	vand.u32 $0x7, v3  }
0x147: {  	v3 =	vor.u32 v3, v4  }
0x148: {  	v4 =	vperm.xlane v3, v0;
	_ =	sdelay $0x1  }
0x149: {  	v4 =	vadd.s32 v1, v4;
	_ =	sdelay $0x1  }
0x14a: {  	v3 =	vperm.xlane v3, v2;
	_ =	sdelay $0x1  }
0x14b: {  	s6 =	simm.s32 $0x10900;
	v3 =	vadd.s32 v1, v3  }
0x14c: {  	[tilespmem:s6], [sflag:$0x1] =	stream.indirect_vreg.gather [hbm4b:s1+s3], $0x80, v4, vm0, $0xb8;
	[tilespmem:$0x12D00] =	vst v63  }
0x14d: {  	s6 =	simm.s32 $0x11100  }
0x14e: {  	[tilespmem:s6], [sflag:$0x1] =	stream.indirect_vreg.gather [hbm4b:s5+s3], $0x80, v4, vm1, $0xb8;
	[tilespmem:$0x12D00] =	vst v63  }
0x14f: {  	s6 =	simm.s32 $0x11500  }
0x150: {  	[tilespmem:s6], [sflag:$0x1] =	stream.indirect_vreg.gather [hbm4b:s1+s3], $0x80, v3, vm0, $0xb8;
	[tilespmem:$0x12D00] =	vst v63  }
0x151: {  	s6 =	simm.s32 $0x11D00  }
0x152: {  	[tilespmem:s6], [sflag:$0x1] =	stream.indirect_vreg.gather [hbm4b:s5+s3], $0x80, v3, vm1, $0xb8;
	[tilespmem:$0x12D00] =	vst v63  }
0x153: {  	v3 =	vld.msk [tilespmem:$0xC0], $0xff;
	_ =	sdelay $0x4  }
0x154: {  	v63 =	vshrl.u32 v3, $0x3  }
0x155: {  	v4 =	vmul.u32 $0x18, v63  }
0x156: {  	v3 =	vand.u32 $0x7, v3  }
0x157: {  	v3 =	vor.u32 v3, v4  }
0x158: {  	v3 =	vperm.xlane v3, v0;
	_ =	sdelay $0x1  }
0x159: {  	v3 =	vadd.s32 v1, v3;
	_ =	sdelay $0x3  }
0x15a: {  	s6 =	simm.s32 $0x12100  }
0x15b: {  	[tilespmem:s6], [sflag:$0x1] =	stream.indirect_vreg.gather [hbm4b:s1+s3], $0x80, v3, vm0, $0xb8;
	[tilespmem:$0x12D00] =	vst v63  }
0x15c: {  	s6 =	simm.s32 $0x12900  }
0x15d: {  	[tilespmem:s6], [sflag:$0x1] =	stream.indirect_vreg.gather [hbm4b:s5+s3], $0x80, v3, vm1, $0xb8;
	[tilespmem:$0x12D00] =	vst v63  }
0x15e: {  	_ =	swait.ge [sflag:s15], $0x12C00  }
0x15f: {  	[sflag:s15] =	ssyncset.done $0x0  }
.Ltmp3:
0x160: {  	s6 =	rddreg [dreg:$0x5];
	[sflag:s15] =	ssyncadd.s32 $0xFFFED400;
	(pc) =	sbr.rel .LBB2_4-.Ltmp3, $4  }
0x161: {  	[hbm4b:s6+s3] =	stream.linear.scatter [tilespmem:s11], [sflag:$0x2], $0x12C00, $0x38;
	[tilespmem:$0x12D00] =	vst v63  }
0x162: {  	_ =	swait.ge [sflag:s10], $0x12C00  }
0x163: {  	[sflag:s10] =	ssyncset.done $0x0  }
0x164: {  	[sflag:s10] =	ssyncadd.s32 $0xFFFED400  }
.LBB2_5:
0x165: {  	_ =	sfence.sel $0x180000  }
0x166: {  	[bflag:$0x0] =	sbarrier.arrive $0xFFFF  }
0x167: {  	_ =	strace $0x90000047  }
0x168: {  	s0 =	stileid.u32;
	[bflag:$0x2] =	sbarrier.arrive $0xFFFF  }
0x169: {  	p0 =	sne.s32 s0, $0x0;
	s0 =	rddreg [dreg:$0x3]  }
0x16a: {  	s0 =	sadd.s32 @!p0 $0x100000, s0  }
0x16b: {  	[sflag:s0] =	ssyncadd.tile.s32 @!p0 $0x1;
	_ =	shalt  }
.Lfunc_end2:
_tile_overlayer_lowered:
.L_overlay_start_2:
0x16c: {  	(tag) =	ssettag $0x2  }
0x16d: {  	s0 =	rddreg [dreg:$0x0];
	s2 =	stileid.u32  }
0x16e: {  	s1 =	rddreg [dreg:$0x1];
	p0 =	sne.s32 s2, $0x0  }
0x16f: {  	s3 =	rddreg [dreg:$0x2];
	[bflag:$0x3] =	sbarrier.arrive $0xFFFF;
	s2 =	simm.s32 @!p0 $0x1C02  }
0x170: {  	[timem:s3], [sflag:s2] =	dma.local @!p0 [hbm:s0], s1  }
0x171: {  	s0 =	simm.s32 @!p0 $0x2  }
0x172: {  	_ =	swait.ge @!p0 [sflag:s0], s1  }
0x173: {  	s1 =	ssub.s32 @!p0 $0x0, s1;
	[sflag:s0] =	ssyncset.done @!p0 $0x0  }
0x174: {  	[sflag:s0] =	ssyncadd.s32 @!p0 s1  }
0x175: {  	[bflag:$0x3] =	sbarrier.arrive $0xFFFF  }
0x176: {  	_ =	shalt  }

</sc_bundles>
